<compile_context>
chip_gen: v7x
topology: tpu7x:2x2x1
jax: 0.10.2.dev20260603
libtpu: 0.0.44.dev20260713+nightly
codegen_flags: <defaults>
</compile_context>

<pallas_src>
import functools

import jax
import jax.numpy as jnp
from jax import lax
from jax.experimental import pallas as pl
from jax.experimental.pallas import tpu as pltpu
from jax.experimental.pallas import tpu_sc as plsc

B = 16384
D = 64
NC = 2
NS = 16
NW = NC * NS
BPW = B // NW
G = 16

_mesh = plsc.VectorSubcoreMesh(
    core_axis_name="c", subcore_axis_name="s", num_cores=NC, num_subcores=NS
)


def _lookup(idx_hbm, tab, out, base, idxb, rows, sem):
    pltpu.sync_copy(idx_hbm.at[pl.ds(base, BPW)], idxb)

    def group(g, carry):
        svec = idxb[pl.ds(g * G, G)]
        for r in range(G):
            i = svec[r]
            pltpu.async_copy(
                tab.at[pl.ds(i, 1)],
                rows.at[pl.ds(g * G + r, 1)],
                sem,
            )
        return carry

    lax.fori_loop(0, BPW // G, group, 0, unroll=False)
    pltpu.make_async_copy(tab.at[pl.ds(0, BPW)], rows, sem).wait()
    pltpu.sync_copy(rows, out.at[pl.ds(base, BPW)])


@functools.partial(
    pl.kernel,
    out_type=(
        jax.ShapeDtypeStruct((B, D), jnp.float32),
        jax.ShapeDtypeStruct((B, D), jnp.float32),
        jax.ShapeDtypeStruct((B, D), jnp.float32),
    ),
    mesh=_mesh,
    scratch_types=[
        pltpu.VMEM((BPW,), jnp.int32),
        pltpu.VMEM((BPW, D), jnp.float32),
        pltpu.SemaphoreType.DMA,
    ],
)
def _sc_gather(head_hbm, rel_hbm, tail_hbm, etab, rtab,
               out_h, out_r, out_t,
               idxb, rows, sem):
    wid = lax.axis_index("s") * NC + lax.axis_index("c")
    base = wid * BPW
    _lookup(head_hbm, etab, out_h, base, idxb, rows, sem)
    _lookup(tail_hbm, etab, out_t, base, idxb, rows, sem)
    _lookup(rel_hbm, rtab, out_r, base, idxb, rows, sem)


def kernel(head, relation, tail, entity_table, relation_table):
    h = head.astype(jnp.int32)
    r = relation.astype(jnp.int32)
    t = tail.astype(jnp.int32)
    return _sc_gather(h, r, t, entity_table, relation_table)

# --- scband reference (transcript-rebuilt; emitter-appended) ---
"""Pipeline reference for scband-knowledge-graph-embedding-43654047596782 (READ-ONLY COPY).

The authoritative reference and input builder live on the scoring server;
editing this copy changes nothing except your own understanding.
"""

import jax, jax.numpy as jnp
import numpy as np

NUM_ENTITIES = 1000000
NUM_RELATIONS = 1000
EMBED_DIM = 64
BATCH = 16384


def setup_inputs(seed: int = 0) -> dict:
    key = jax.random.key(seed)
    k1, k2, k3, k4, k5 = jax.random.split(key, 5)
    head = jax.random.randint(k1, (BATCH,), 0, NUM_ENTITIES, dtype=jnp.int64) if jax.config.jax_enable_x64 else jax.random.randint(k1, (BATCH,), 0, NUM_ENTITIES, dtype=jnp.int32)
    relation = jax.random.randint(k2, (BATCH,), 0, NUM_RELATIONS, dtype=jnp.int32)
    tail = jax.random.randint(k3, (BATCH,), 0, NUM_ENTITIES, dtype=jnp.int32)
    entity_table = jax.random.normal(k4, (NUM_ENTITIES, EMBED_DIM), dtype=jnp.float32)
    relation_table = jax.random.normal(k5, (NUM_RELATIONS, EMBED_DIM), dtype=jnp.float32)
    return {
        "head": head,
        "relation": relation,
        "tail": tail,
        "entity_table": entity_table,
        "relation_table": relation_table,
    }


def reference(head, relation, tail, entity_table, relation_table):
    head_embedding = jnp.take(entity_table, head, axis=0)
    relation_embedding = jnp.take(relation_table, relation, axis=0)
    tail_embedding = jnp.take(entity_table, tail, axis=0)
    return (head_embedding, relation_embedding, tail_embedding)

if __name__ == "__main__":
    import jax
    _d = setup_inputs()
    print(jax.jit(kernel)(*tuple(_d.values())))

</pallas_src>

<mosaic_0001>
#map = affine_map<(d0, d1) -> (0)>
#map1 = affine_map<(d0, d1) -> (0, 0)>
module attributes {stable_mosaic.version = 14 : i64} {
  func.func @_sc_gather(%arg0: i32, %arg1: i32, %arg2: memref<16384xi32, #tpu.memory_space<hbm>>, %arg3: memref<16384xi32, #tpu.memory_space<hbm>>, %arg4: memref<16384xi32, #tpu.memory_space<hbm>>, %arg5: memref<1000000x64xf32, #tpu.memory_space<hbm>>, %arg6: memref<1000x64xf32, #tpu.memory_space<hbm>>, %arg7: memref<16384x64xf32, #tpu.memory_space<hbm>>, %arg8: memref<16384x64xf32, #tpu.memory_space<hbm>>, %arg9: memref<16384x64xf32, #tpu.memory_space<hbm>>, %arg10: memref<512xi32, #tpu.memory_space<vmem>>, %arg11: memref<512x64xf32, #tpu.memory_space<vmem>>, %arg12: memref<!tpu.dma_semaphore, #tpu.memory_space<semaphore_mem>>) attributes {dimension_semantics = [#tpu.dimension_semantics<core_parallel>, #tpu.dimension_semantics<subcore_parallel>], iteration_bounds = array<i64: 2, 16>, scalar_prefetch = 0 : i64, scratch_operands = 3 : i64, tpu.core_type = #tpu.core_type<sc_vector_subcore>, window_params = [{transform_indices = #map}, {transform_indices = #map}, {transform_indices = #map}, {transform_indices = #map1}, {transform_indices = #map1}, {transform_indices = #map1}, {transform_indices = #map1}, {transform_indices = #map1}]} {
    %mul3A = arith.constant 2 : i32
    %mul3A_0 = arith.muli %arg1, %mul3A : i32
    %add3A = arith.addi %mul3A_0, %arg0 : i32
    %mul3A_1 = arith.constant 512 : i32
    %mul3A_2 = arith.muli %add3A, %mul3A_1 : i32
    "tpu.region"() ({
      %run_scoped3A = tpu.sem_alloc : memref<!tpu.dma_semaphore, #tpu.memory_space<semaphore_mem>>
      %dma_start3A = tpu.memref_slice %arg2[%mul3A_2] : memref<16384xi32, #tpu.memory_space<hbm>> -> memref<512xi32, #tpu.memory_space<hbm>>
      %dma_start3A_37 = tpu.memref_slice %arg2[%mul3A_2] : memref<16384xi32, #tpu.memory_space<hbm>> -> memref<512xi32, #tpu.memory_space<hbm>>
      tpu.enqueue_dma source(%dma_start3A_37 : memref<512xi32, #tpu.memory_space<hbm>>) target(%arg10 : memref<512xi32, #tpu.memory_space<vmem>>) target_semaphore(%run_scoped3A : memref<!tpu.dma_semaphore, #tpu.memory_space<semaphore_mem>>)
      %dma_wait3A_38 = tpu.memref_slice %arg2[%mul3A_2] : memref<16384xi32, #tpu.memory_space<hbm>> -> memref<512xi32, #tpu.memory_space<hbm>>
      %dma_wait3A_39 = tpu.memref_slice %arg2[%mul3A_2] : memref<16384xi32, #tpu.memory_space<hbm>> -> memref<512xi32, #tpu.memory_space<hbm>>
      tpu.wait_dma2 semaphore(%run_scoped3A : memref<!tpu.dma_semaphore, #tpu.memory_space<semaphore_mem>>) src(%dma_wait3A_39 : memref<512xi32, #tpu.memory_space<hbm>>) dst(%arg10 : memref<512xi32, #tpu.memory_space<vmem>>)
      tpu.yield
    }) : () -> ()
    %scan3A = arith.constant 0 : i32
    %scan3A_3 = arith.constant 0 : i32
    %scan3A_4 = arith.constant 32 : i32
    %scan3A_5 = arith.addi %scan3A_3, %scan3A_4 : i32
    %scan3A_6 = arith.constant 1 : i32
    scf.for %scan3A_37 = %scan3A_3 to %scan3A_5 step %scan3A_6  : i32 {
      %mul3A_38 = arith.constant 16 : i32
      %mul3A_39 = arith.muli %scan3A_37, %mul3A_38 : i32
      %get3A = arith.index_cast %mul3A_39 : i32 to index
      %get3A_40 = tpu.vector_load %arg10[%get3A] {strides = array<i32>} : memref<512xi32, #tpu.memory_space<vmem>>, vector<16xi32>,
      %get3A_41 = vector.shape_cast %get3A_40 : vector<16xi32> to vector<16xi32>
      %slice3A = vector.extract_strided_slice %get3A_41 {offsets = [0], sizes = [1], strides = [1]} : vector<16xi32> to vector<1xi32>
      %squeeze3A = vector.extract %slice3A[0] : i32 from vector<1xi32>
      %mul3A_42 = arith.constant 16 : i32
      %mul3A_43 = arith.muli %scan3A_37, %mul3A_42 : i32
      %add3A_44 = arith.constant 0 : i32
      %add3A_45 = arith.addi %mul3A_43, %add3A_44 : i32
      %dma_start3A = arith.constant 0 : i32
      %dma_start3A_46 = tpu.memref_slice %arg11[%add3A_45, %dma_start3A] : memref<512x64xf32, #tpu.memory_space<vmem>> -> memref<1x64xf32, #tpu.memory_space<vmem>>
      %dma_start3A_47 = arith.constant 0 : i32
      %dma_start3A_48 = tpu.memref_slice %arg5[%squeeze3A, %dma_start3A_47] : memref<1000000x64xf32, #tpu.memory_space<hbm>> -> memref<1x64xf32, #tpu.memory_space<hbm>>
      %dma_start3A_49 = arith.constant 0 : i32
      %dma_start3A_50 = tpu.memref_slice %arg11[%add3A_45, %dma_start3A_49] : memref<512x64xf32, #tpu.memory_space<vmem>> -> memref<1x64xf32, #tpu.memory_space<vmem>>
      %dma_start3A_51 = arith.constant 0 : i32
      %dma_start3A_52 = tpu.memref_slice %arg5[%squeeze3A, %dma_start3A_51] : memref<1000000x64xf32, #tpu.memory_space<hbm>> -> memref<1x64xf32, #tpu.memory_space<hbm>>
      tpu.enqueue_dma source(%dma_start3A_52 : memref<1x64xf32, #tpu.memory_space<hbm>>) target(%dma_start3A_50 : memref<1x64xf32, #tpu.memory_space<vmem>>) target_semaphore(%arg12 : memref<!tpu.dma_semaphore, #tpu.memory_space<semaphore_mem>>)
      %slice3A_53 = vector.extract_strided_slice %get3A_41 {offsets = [1], sizes = [1], strides = [1]} : vector<16xi32> to vector<1xi32>
      %squeeze3A_54 = vector.extract %slice3A_53[0] : i32 from vector<1xi32>
      %mul3A_55 = arith.constant 16 : i32
      %mul3A_56 = arith.muli %scan3A_37, %mul3A_55 : i32
      %add3A_57 = arith.constant 1 : i32
      %add3A_58 = arith.addi %mul3A_56, %add3A_57 : i32
      %dma_start3A_59 = arith.constant 0 : i32
      %dma_start3A_60 = tpu.memref_slice %arg11[%add3A_58, %dma_start3A_59] : memref<512x64xf32, #tpu.memory_space<vmem>> -> memref<1x64xf32, #tpu.memory_space<vmem>>
      %dma_start3A_61 = arith.constant 0 : i32
      %dma_start3A_62 = tpu.memref_slice %arg5[%squeeze3A_54, %dma_start3A_61] : memref<1000000x64xf32, #tpu.memory_space<hbm>> -> memref<1x64xf32, #tpu.memory_space<hbm>>
      %dma_start3A_63 = arith.constant 0 : i32
      %dma_start3A_64 = tpu.memref_slice %arg11[%add3A_58, %dma_start3A_63] : memref<512x64xf32, #tpu.memory_space<vmem>> -> memref<1x64xf32, #tpu.memory_space<vmem>>
      %dma_start3A_65 = arith.constant 0 : i32
      %dma_start3A_66 = tpu.memref_slice %arg5[%squeeze3A_54, %dma_start3A_65] : memref<1000000x64xf32, #tpu.memory_space<hbm>> -> memref<1x64xf32, #tpu.memory_space<hbm>>
      tpu.enqueue_dma source(%dma_start3A_66 : memref<1x64xf32, #tpu.memory_space<hbm>>) target(%dma_start3A_64 : memref<1x64xf32, #tpu.memory_space<vmem>>) target_semaphore(%arg12 : memref<!tpu.dma_semaphore, #tpu.memory_space<semaphore_mem>>)
      %slice3A_67 = vector.extract_strided_slice %get3A_41 {offsets = [2], sizes = [1], strides = [1]} : vector<16xi32> to vector<1xi32>
      %squeeze3A_68 = vector.extract %slice3A_67[0] : i32 from vector<1xi32>
      %mul3A_69 = arith.constant 16 : i32
      %mul3A_70 = arith.muli %scan3A_37, %mul3A_69 : i32
      %add3A_71 = arith.constant 2 : i32
      %add3A_72 = arith.addi %mul3A_70, %add3A_71 : i32
      %dma_start3A_73 = arith.constant 0 : i32
      %dma_start3A_74 = tpu.memref_slice %arg11[%add3A_72, %dma_start3A_73] : memref<512x64xf32, #tpu.memory_space<vmem>> -> memref<1x64xf32, #tpu.memory_space<vmem>>
      %dma_start3A_75 = arith.constant 0 : i32
      %dma_start3A_76 = tpu.memref_slice %arg5[%squeeze3A_68, %dma_start3A_75] : memref<1000000x64xf32, #tpu.memory_space<hbm>> -> memref<1x64xf32, #tpu.memory_space<hbm>>
      %dma_start3A_77 = arith.constant 0 : i32
      %dma_start3A_78 = tpu.memref_slice %arg11[%add3A_72, %dma_start3A_77] : memref<512x64xf32, #tpu.memory_space<vmem>> -> memref<1x64xf32, #tpu.memory_space<vmem>>
      %dma_start3A_79 = arith.constant 0 : i32
      %dma_start3A_80 = tpu.memref_slice %arg5[%squeeze3A_68, %dma_start3A_79] : memref<1000000x64xf32, #tpu.memory_space<hbm>> -> memref<1x64xf32, #tpu.memory_space<hbm>>
      tpu.enqueue_dma source(%dma_start3A_80 : memref<1x64xf32, #tpu.memory_space<hbm>>) target(%dma_start3A_78 : memref<1x64xf32, #tpu.memory_space<vmem>>) target_semaphore(%arg12 : memref<!tpu.dma_semaphore, #tpu.memory_space<semaphore_mem>>)
      %slice3A_81 = vector.extract_strided_slice %get3A_41 {offsets = [3], sizes = [1], strides = [1]} : vector<16xi32> to vector<1xi32>
      %squeeze3A_82 = vector.extract %slice3A_81[0] : i32 from vector<1xi32>
      %mul3A_83 = arith.constant 16 : i32
      %mul3A_84 = arith.muli %scan3A_37, %mul3A_83 : i32
      %add3A_85 = arith.constant 3 : i32
      %add3A_86 = arith.addi %mul3A_84, %add3A_85 : i32
      %dma_start3A_87 = arith.constant 0 : i32
      %dma_start3A_88 = tpu.memref_slice %arg11[%add3A_86, %dma_start3A_87] : memref<512x64xf32, #tpu.memory_space<vmem>> -> memref<1x64xf32, #tpu.memory_space<vmem>>
      %dma_start3A_89 = arith.constant 0 : i32
      %dma_start3A_90 = tpu.memref_slice %arg5[%squeeze3A_82, %dma_start3A_89] : memref<1000000x64xf32, #tpu.memory_space<hbm>> -> memref<1x64xf32, #tpu.memory_space<hbm>>
      %dma_start3A_91 = arith.constant 0 : i32
      %dma_start3A_92 = tpu.memref_slice %arg11[%add3A_86, %dma_start3A_91] : memref<512x64xf32, #tpu.memory_space<vmem>> -> memref<1x64xf32, #tpu.memory_space<vmem>>
      %dma_start3A_93 = arith.constant 0 : i32
      %dma_start3A_94 = tpu.memref_slice %arg5[%squeeze3A_82, %dma_start3A_93] : memref<1000000x64xf32, #tpu.memory_space<hbm>> -> memref<1x64xf32, #tpu.memory_space<hbm>>
      tpu.enqueue_dma source(%dma_start3A_94 : memref<1x64xf32, #tpu.memory_space<hbm>>) target(%dma_start3A_92 : memref<1x64xf32, #tpu.memory_space<vmem>>) target_semaphore(%arg12 : memref<!tpu.dma_semaphore, #tpu.memory_space<semaphore_mem>>)
      %slice3A_95 = vector.extract_strided_slice %get3A_41 {offsets = [4], sizes = [1], strides = [1]} : vector<16xi32> to vector<1xi32>
      %squeeze3A_96 = vector.extract %slice3A_95[0] : i32 from vector<1xi32>
      %mul3A_97 = arith.constant 16 : i32
      %mul3A_98 = arith.muli %scan3A_37, %mul3A_97 : i32
      %add3A_99 = arith.constant 4 : i32
      %add3A_100 = arith.addi %mul3A_98, %add3A_99 : i32
      %dma_start3A_101 = arith.constant 0 : i32
      %dma_start3A_102 = tpu.memref_slice %arg11[%add3A_100, %dma_start3A_101] : memref<512x64xf32, #tpu.memory_space<vmem>> -> memref<1x64xf32, #tpu.memory_space<vmem>>
      %dma_start3A_103 = arith.constant 0 : i32
      %dma_start3A_104 = tpu.memref_slice %arg5[%squeeze3A_96, %dma_start3A_103] : memref<1000000x64xf32, #tpu.memory_space<hbm>> -> memref<1x64xf32, #tpu.memory_space<hbm>>
      %dma_start3A_105 = arith.constant 0 : i32
      %dma_start3A_106 = tpu.memref_slice %arg11[%add3A_100, %dma_start3A_105] : memref<512x64xf32, #tpu.memory_space<vmem>> -> memref<1x64xf32, #tpu.memory_space<vmem>>
      %dma_start3A_107 = arith.constant 0 : i32
      %dma_start3A_108 = tpu.memref_slice %arg5[%squeeze3A_96, %dma_start3A_107] : memref<1000000x64xf32, #tpu.memory_space<hbm>> -> memref<1x64xf32, #tpu.memory_space<hbm>>
      tpu.enqueue_dma source(%dma_start3A_108 : memref<1x64xf32, #tpu.memory_space<hbm>>) target(%dma_start3A_106 : memref<1x64xf32, #tpu.memory_space<vmem>>) target_semaphore(%arg12 : memref<!tpu.dma_semaphore, #tpu.memory_space<semaphore_mem>>)
      %slice3A_109 = vector.extract_strided_slice %get3A_41 {offsets = [5], sizes = [1], strides = [1]} : vector<16xi32> to vector<1xi32>
      %squeeze3A_110 = vector.extract %slice3A_109[0] : i32 from vector<1xi32>
      %mul3A_111 = arith.constant 16 : i32
      %mul3A_112 = arith.muli %scan3A_37, %mul3A_111 : i32
      %add3A_113 = arith.constant 5 : i32
      %add3A_114 = arith.addi %mul3A_112, %add3A_113 : i32
      %dma_start3A_115 = arith.constant 0 : i32
      %dma_start3A_116 = tpu.memref_slice %arg11[%add3A_114, %dma_start3A_115] : memref<512x64xf32, #tpu.memory_space<vmem>> -> memref<1x64xf32, #tpu.memory_space<vmem>>
      %dma_start3A_117 = arith.constant 0 : i32
      %dma_start3A_118 = tpu.memref_slice %arg5[%squeeze3A_110, %dma_start3A_117] : memref<1000000x64xf32, #tpu.memory_space<hbm>> -> memref<1x64xf32, #tpu.memory_space<hbm>>
      %dma_start3A_119 = arith.constant 0 : i32
      %dma_start3A_120 = tpu.memref_slice %arg11[%add3A_114, %dma_start3A_119] : memref<512x64xf32, #tpu.memory_space<vmem>> -> memref<1x64xf32, #tpu.memory_space<vmem>>
      %dma_start3A_121 = arith.constant 0 : i32
      %dma_start3A_122 = tpu.memref_slice %arg5[%squeeze3A_110, %dma_start3A_121] : memref<1000000x64xf32, #tpu.memory_space<hbm>> -> memref<1x64xf32, #tpu.memory_space<hbm>>
      tpu.enqueue_dma source(%dma_start3A_122 : memref<1x64xf32, #tpu.memory_space<hbm>>) target(%dma_start3A_120 : memref<1x64xf32, #tpu.memory_space<vmem>>) target_semaphore(%arg12 : memref<!tpu.dma_semaphore, #tpu.memory_space<semaphore_mem>>)
      %slice3A_123 = vector.extract_strided_slice %get3A_41 {offsets = [6], sizes = [1], strides = [1]} : vector<16xi32> to vector<1xi32>
      %squeeze3A_124 = vector.extract %slice3A_123[0] : i32 from vector<1xi32>
      %mul3A_125 = arith.constant 16 : i32
      %mul3A_126 = arith.muli %scan3A_37, %mul3A_125 : i32
      %add3A_127 = arith.constant 6 : i32
      %add3A_128 = arith.addi %mul3A_126, %add3A_127 : i32
      %dma_start3A_129 = arith.constant 0 : i32
      %dma_start3A_130 = tpu.memref_slice %arg11[%add3A_128, %dma_start3A_129] : memref<512x64xf32, #tpu.memory_space<vmem>> -> memref<1x64xf32, #tpu.memory_space<vmem>>
      %dma_start3A_131 = arith.constant 0 : i32
      %dma_start3A_132 = tpu.memref_slice %arg5[%squeeze3A_124, %dma_start3A_131] : memref<1000000x64xf32, #tpu.memory_space<hbm>> -> memref<1x64xf32, #tpu.memory_space<hbm>>
      %dma_start3A_133 = arith.constant 0 : i32
      %dma_start3A_134 = tpu.memref_slice %arg11[%add3A_128, %dma_start3A_133] : memref<512x64xf32, #tpu.memory_space<vmem>> -> memref<1x64xf32, #tpu.memory_space<vmem>>
      %dma_start3A_135 = arith.constant 0 : i32
      %dma_start3A_136 = tpu.memref_slice %arg5[%squeeze3A_124, %dma_start3A_135] : memref<1000000x64xf32, #tpu.memory_space<hbm>> -> memref<1x64xf32, #tpu.memory_space<hbm>>
      tpu.enqueue_dma source(%dma_start3A_136 : memref<1x64xf32, #tpu.memory_space<hbm>>) target(%dma_start3A_134 : memref<1x64xf32, #tpu.memory_space<vmem>>) target_semaphore(%arg12 : memref<!tpu.dma_semaphore, #tpu.memory_space<semaphore_mem>>)
      %slice3A_137 = vector.extract_strided_slice %get3A_41 {offsets = [7], sizes = [1], strides = [1]} : vector<16xi32> to vector<1xi32>
      %squeeze3A_138 = vector.extract %slice3A_137[0] : i32 from vector<1xi32>
      %mul3A_139 = arith.constant 16 : i32
      %mul3A_140 = arith.muli %scan3A_37, %mul3A_139 : i32
      %add3A_141 = arith.constant 7 : i32
      %add3A_142 = arith.addi %mul3A_140, %add3A_141 : i32
      %dma_start3A_143 = arith.constant 0 : i32
      %dma_start3A_144 = tpu.memref_slice %arg11[%add3A_142, %dma_start3A_143] : memref<512x64xf32, #tpu.memory_space<vmem>> -> memref<1x64xf32, #tpu.memory_space<vmem>>
      %dma_start3A_145 = arith.constant 0 : i32
      %dma_start3A_146 = tpu.memref_slice %arg5[%squeeze3A_138, %dma_start3A_145] : memref<1000000x64xf32, #tpu.memory_space<hbm>> -> memref<1x64xf32, #tpu.memory_space<hbm>>
      %dma_start3A_147 = arith.constant 0 : i32
      %dma_start3A_148 = tpu.memref_slice %arg11[%add3A_142, %dma_start3A_147] : memref<512x64xf32, #tpu.memory_space<vmem>> -> memref<1x64xf32, #tpu.memory_space<vmem>>
      %dma_start3A_149 = arith.constant 0 : i32
      %dma_start3A_150 = tpu.memref_slice %arg5[%squeeze3A_138, %dma_start3A_149] : memref<1000000x64xf32, #tpu.memory_space<hbm>> -> memref<1x64xf32, #tpu.memory_space<hbm>>
      tpu.enqueue_dma source(%dma_start3A_150 : memref<1x64xf32, #tpu.memory_space<hbm>>) target(%dma_start3A_148 : memref<1x64xf32, #tpu.memory_space<vmem>>) target_semaphore(%arg12 : memref<!tpu.dma_semaphore, #tpu.memory_space<semaphore_mem>>)
      %slice3A_151 = vector.extract_strided_slice %get3A_41 {offsets = [8], sizes = [1], strides = [1]} : vector<16xi32> to vector<1xi32>
      %squeeze3A_152 = vector.extract %slice3A_151[0] : i32 from vector<1xi32>
      %mul3A_153 = arith.constant 16 : i32
      %mul3A_154 = arith.muli %scan3A_37, %mul3A_153 : i32
      %add3A_155 = arith.constant 8 : i32
      %add3A_156 = arith.addi %mul3A_154, %add3A_155 : i32
      %dma_start3A_157 = arith.constant 0 : i32
      %dma_start3A_158 = tpu.memref_slice %arg11[%add3A_156, %dma_start3A_157] : memref<512x64xf32, #tpu.memory_space<vmem>> -> memref<1x64xf32, #tpu.memory_space<vmem>>
      %dma_start3A_159 = arith.constant 0 : i32
      %dma_start3A_160 = tpu.memref_slice %arg5[%squeeze3A_152, %dma_start3A_159] : memref<1000000x64xf32, #tpu.memory_space<hbm>> -> memref<1x64xf32, #tpu.memory_space<hbm>>
      %dma_start3A_161 = arith.constant 0 : i32
      %dma_start3A_162 = tpu.memref_slice %arg11[%add3A_156, %dma_start3A_161] : memref<512x64xf32, #tpu.memory_space<vmem>> -> memref<1x64xf32, #tpu.memory_space<vmem>>
      %dma_start3A_163 = arith.constant 0 : i32
      %dma_start3A_164 = tpu.memref_slice %arg5[%squeeze3A_152, %dma_start3A_163] : memref<1000000x64xf32, #tpu.memory_space<hbm>> -> memref<1x64xf32, #tpu.memory_space<hbm>>
      tpu.enqueue_dma source(%dma_start3A_164 : memref<1x64xf32, #tpu.memory_space<hbm>>) target(%dma_start3A_162 : memref<1x64xf32, #tpu.memory_space<vmem>>) target_semaphore(%arg12 : memref<!tpu.dma_semaphore, #tpu.memory_space<semaphore_mem>>)
      %slice3A_165 = vector.extract_strided_slice %get3A_41 {offsets = [9], sizes = [1], strides = [1]} : vector<16xi32> to vector<1xi32>
      %squeeze3A_166 = vector.extract %slice3A_165[0] : i32 from vector<1xi32>
      %mul3A_167 = arith.constant 16 : i32
      %mul3A_168 = arith.muli %scan3A_37, %mul3A_167 : i32
      %add3A_169 = arith.constant 9 : i32
      %add3A_170 = arith.addi %mul3A_168, %add3A_169 : i32
      %dma_start3A_171 = arith.constant 0 : i32
      %dma_start3A_172 = tpu.memref_slice %arg11[%add3A_170, %dma_start3A_171] : memref<512x64xf32, #tpu.memory_space<vmem>> -> memref<1x64xf32, #tpu.memory_space<vmem>>
      %dma_start3A_173 = arith.constant 0 : i32
      %dma_start3A_174 = tpu.memref_slice %arg5[%squeeze3A_166, %dma_start3A_173] : memref<1000000x64xf32, #tpu.memory_space<hbm>> -> memref<1x64xf32, #tpu.memory_space<hbm>>
      %dma_start3A_175 = arith.constant 0 : i32
      %dma_start3A_176 = tpu.memref_slice %arg11[%add3A_170, %dma_start3A_175] : memref<512x64xf32, #tpu.memory_space<vmem>> -> memref<1x64xf32, #tpu.memory_space<vmem>>
      %dma_start3A_177 = arith.constant 0 : i32
      %dma_start3A_178 = tpu.memref_slice %arg5[%squeeze3A_166, %dma_start3A_177] : memref<1000000x64xf32, #tpu.memory_space<hbm>> -> memref<1x64xf32, #tpu.memory_space<hbm>>
      tpu.enqueue_dma source(%dma_start3A_178 : memref<1x64xf32, #tpu.memory_space<hbm>>) target(%dma_start3A_176 : memref<1x64xf32, #tpu.memory_space<vmem>>) target_semaphore(%arg12 : memref<!tpu.dma_semaphore, #tpu.memory_space<semaphore_mem>>)
      %slice3A_179 = vector.extract_strided_slice %get3A_41 {offsets = [10], sizes = [1], strides = [1]} : vector<16xi32> to vector<1xi32>
      %squeeze3A_180 = vector.extract %slice3A_179[0] : i32 from vector<1xi32>
      %mul3A_181 = arith.constant 16 : i32
      %mul3A_182 = arith.muli %scan3A_37, %mul3A_181 : i32
      %add3A_183 = arith.constant 10 : i32
      %add3A_184 = arith.addi %mul3A_182, %add3A_183 : i32
      %dma_start3A_185 = arith.constant 0 : i32
      %dma_start3A_186 = tpu.memref_slice %arg11[%add3A_184, %dma_start3A_185] : memref<512x64xf32, #tpu.memory_space<vmem>> -> memref<1x64xf32, #tpu.memory_space<vmem>>
      %dma_start3A_187 = arith.constant 0 : i32
      %dma_start3A_188 = tpu.memref_slice %arg5[%squeeze3A_180, %dma_start3A_187] : memref<1000000x64xf32, #tpu.memory_space<hbm>> -> memref<1x64xf32, #tpu.memory_space<hbm>>
      %dma_start3A_189 = arith.constant 0 : i32
      %dma_start3A_190 = tpu.memref_slice %arg11[%add3A_184, %dma_start3A_189] : memref<512x64xf32, #tpu.memory_space<vmem>> -> memref<1x64xf32, #tpu.memory_space<vmem>>
      %dma_start3A_191 = arith.constant 0 : i32
      %dma_start3A_192 = tpu.memref_slice %arg5[%squeeze3A_180, %dma_start3A_191] : memref<1000000x64xf32, #tpu.memory_space<hbm>> -> memref<1x64xf32, #tpu.memory_space<hbm>>
      tpu.enqueue_dma source(%dma_start3A_192 : memref<1x64xf32, #tpu.memory_space<hbm>>) target(%dma_start3A_190 : memref<1x64xf32, #tpu.memory_space<vmem>>) target_semaphore(%arg12 : memref<!tpu.dma_semaphore, #tpu.memory_space<semaphore_mem>>)
      %slice3A_193 = vector.extract_strided_slice %get3A_41 {offsets = [11], sizes = [1], strides = [1]} : vector<16xi32> to vector<1xi32>
      %squeeze3A_194 = vector.extract %slice3A_193[0] : i32 from vector<1xi32>
      %mul3A_195 = arith.constant 16 : i32
      %mul3A_196 = arith.muli %scan3A_37, %mul3A_195 : i32
      %add3A_197 = arith.constant 11 : i32
      %add3A_198 = arith.addi %mul3A_196, %add3A_197 : i32
      %dma_start3A_199 = arith.constant 0 : i32
      %dma_start3A_200 = tpu.memref_slice %arg11[%add3A_198, %dma_start3A_199] : memref<512x64xf32, #tpu.memory_space<vmem>> -> memref<1x64xf32, #tpu.memory_space<vmem>>
      %dma_start3A_201 = arith.constant 0 : i32
      %dma_start3A_202 = tpu.memref_slice %arg5[%squeeze3A_194, %dma_start3A_201] : memref<1000000x64xf32, #tpu.memory_space<hbm>> -> memref<1x64xf32, #tpu.memory_space<hbm>>
      %dma_start3A_203 = arith.constant 0 : i32
      %dma_start3A_204 = tpu.memref_slice %arg11[%add3A_198, %dma_start3A_203] : memref<512x64xf32, #tpu.memory_space<vmem>> -> memref<1x64xf32, #tpu.memory_space<vmem>>
      %dma_start3A_205 = arith.constant 0 : i32
      %dma_start3A_206 = tpu.memref_slice %arg5[%squeeze3A_194, %dma_start3A_205] : memref<1000000x64xf32, #tpu.memory_space<hbm>> -> memref<1x64xf32, #tpu.memory_space<hbm>>
      tpu.enqueue_dma source(%dma_start3A_206 : memref<1x64xf32, #tpu.memory_space<hbm>>) target(%dma_start3A_204 : memref<1x64xf32, #tpu.memory_space<vmem>>) target_semaphore(%arg12 : memref<!tpu.dma_semaphore, #tpu.memory_space<semaphore_mem>>)
      %slice3A_207 = vector.extract_strided_slice %get3A_41 {offsets = [12], sizes = [1], strides = [1]} : vector<16xi32> to vector<1xi32>
      %squeeze3A_208 = vector.extract %slice3A_207[0] : i32 from vector<1xi32>
      %mul3A_209 = arith.constant 16 : i32
      %mul3A_210 = arith.muli %scan3A_37, %mul3A_209 : i32
      %add3A_211 = arith.constant 12 : i32
      %add3A_212 = arith.addi %mul3A_210, %add3A_211 : i32
      %dma_start3A_213 = arith.constant 0 : i32
      %dma_start3A_214 = tpu.memref_slice %arg11[%add3A_212, %dma_start3A_213] : memref<512x64xf32, #tpu.memory_space<vmem>> -> memref<1x64xf32, #tpu.memory_space<vmem>>
      %dma_start3A_215 = arith.constant 0 : i32
      %dma_start3A_216 = tpu.memref_slice %arg5[%squeeze3A_208, %dma_start3A_215] : memref<1000000x64xf32, #tpu.memory_space<hbm>> -> memref<1x64xf32, #tpu.memory_space<hbm>>
      %dma_start3A_217 = arith.constant 0 : i32
      %dma_start3A_218 = tpu.memref_slice %arg11[%add3A_212, %dma_start3A_217] : memref<512x64xf32, #tpu.memory_space<vmem>> -> memref<1x64xf32, #tpu.memory_space<vmem>>
      %dma_start3A_219 = arith.constant 0 : i32
      %dma_start3A_220 = tpu.memref_slice %arg5[%squeeze3A_208, %dma_start3A_219] : memref<1000000x64xf32, #tpu.memory_space<hbm>> -> memref<1x64xf32, #tpu.memory_space<hbm>>
      tpu.enqueue_dma source(%dma_start3A_220 : memref<1x64xf32, #tpu.memory_space<hbm>>) target(%dma_start3A_218 : memref<1x64xf32, #tpu.memory_space<vmem>>) target_semaphore(%arg12 : memref<!tpu.dma_semaphore, #tpu.memory_space<semaphore_mem>>)
      %slice3A_221 = vector.extract_strided_slice %get3A_41 {offsets = [13], sizes = [1], strides = [1]} : vector<16xi32> to vector<1xi32>
      %squeeze3A_222 = vector.extract %slice3A_221[0] : i32 from vector<1xi32>
      %mul3A_223 = arith.constant 16 : i32
      %mul3A_224 = arith.muli %scan3A_37, %mul3A_223 : i32
      %add3A_225 = arith.constant 13 : i32
      %add3A_226 = arith.addi %mul3A_224, %add3A_225 : i32
      %dma_start3A_227 = arith.constant 0 : i32
      %dma_start3A_228 = tpu.memref_slice %arg11[%add3A_226, %dma_start3A_227] : memref<512x64xf32, #tpu.memory_space<vmem>> -> memref<1x64xf32, #tpu.memory_space<vmem>>
      %dma_start3A_229 = arith.constant 0 : i32
      %dma_start3A_230 = tpu.memref_slice %arg5[%squeeze3A_222, %dma_start3A_229] : memref<1000000x64xf32, #tpu.memory_space<hbm>> -> memref<1x64xf32, #tpu.memory_space<hbm>>
      %dma_start3A_231 = arith.constant 0 : i32
      %dma_start3A_232 = tpu.memref_slice %arg11[%add3A_226, %dma_start3A_231] : memref<512x64xf32, #tpu.memory_space<vmem>> -> memref<1x64xf32, #tpu.memory_space<vmem>>
      %dma_start3A_233 = arith.constant 0 : i32
      %dma_start3A_234 = tpu.memref_slice %arg5[%squeeze3A_222, %dma_start3A_233] : memref<1000000x64xf32, #tpu.memory_space<hbm>> -> memref<1x64xf32, #tpu.memory_space<hbm>>
      tpu.enqueue_dma source(%dma_start3A_234 : memref<1x64xf32, #tpu.memory_space<hbm>>) target(%dma_start3A_232 : memref<1x64xf32, #tpu.memory_space<vmem>>) target_semaphore(%arg12 : memref<!tpu.dma_semaphore, #tpu.memory_space<semaphore_mem>>)
      %slice3A_235 = vector.extract_strided_slice %get3A_41 {offsets = [14], sizes = [1], strides = [1]} : vector<16xi32> to vector<1xi32>
      %squeeze3A_236 = vector.extract %slice3A_235[0] : i32 from vector<1xi32>
      %mul3A_237 = arith.constant 16 : i32
      %mul3A_238 = arith.muli %scan3A_37, %mul3A_237 : i32
      %add3A_239 = arith.constant 14 : i32
      %add3A_240 = arith.addi %mul3A_238, %add3A_239 : i32
      %dma_start3A_241 = arith.constant 0 : i32
      %dma_start3A_242 = tpu.memref_slice %arg11[%add3A_240, %dma_start3A_241] : memref<512x64xf32, #tpu.memory_space<vmem>> -> memref<1x64xf32, #tpu.memory_space<vmem>>
      %dma_start3A_243 = arith.constant 0 : i32
      %dma_start3A_244 = tpu.memref_slice %arg5[%squeeze3A_236, %dma_start3A_243] : memref<1000000x64xf32, #tpu.memory_space<hbm>> -> memref<1x64xf32, #tpu.memory_space<hbm>>
      %dma_start3A_245 = arith.constant 0 : i32
      %dma_start3A_246 = tpu.memref_slice %arg11[%add3A_240, %dma_start3A_245] : memref<512x64xf32, #tpu.memory_space<vmem>> -> memref<1x64xf32, #tpu.memory_space<vmem>>
      %dma_start3A_247 = arith.constant 0 : i32
      %dma_start3A_248 = tpu.memref_slice %arg5[%squeeze3A_236, %dma_start3A_247] : memref<1000000x64xf32, #tpu.memory_space<hbm>> -> memref<1x64xf32, #tpu.memory_space<hbm>>
      tpu.enqueue_dma source(%dma_start3A_248 : memref<1x64xf32, #tpu.memory_space<hbm>>) target(%dma_start3A_246 : memref<1x64xf32, #tpu.memory_space<vmem>>) target_semaphore(%arg12 : memref<!tpu.dma_semaphore, #tpu.memory_space<semaphore_mem>>)
      %slice3A_249 = vector.extract_strided_slice %get3A_41 {offsets = [15], sizes = [1], strides = [1]} : vector<16xi32> to vector<1xi32>
      %squeeze3A_250 = vector.extract %slice3A_249[0] : i32 from vector<1xi32>
      %mul3A_251 = arith.constant 16 : i32
      %mul3A_252 = arith.muli %scan3A_37, %mul3A_251 : i32
      %add3A_253 = arith.constant 15 : i32
      %add3A_254 = arith.addi %mul3A_252, %add3A_253 : i32
      %dma_start3A_255 = arith.constant 0 : i32
      %dma_start3A_256 = tpu.memref_slice %arg11[%add3A_254, %dma_start3A_255] : memref<512x64xf32, #tpu.memory_space<vmem>> -> memref<1x64xf32, #tpu.memory_space<vmem>>
      %dma_start3A_257 = arith.constant 0 : i32
      %dma_start3A_258 = tpu.memref_slice %arg5[%squeeze3A_250, %dma_start3A_257] : memref<1000000x64xf32, #tpu.memory_space<hbm>> -> memref<1x64xf32, #tpu.memory_space<hbm>>
      %dma_start3A_259 = arith.constant 0 : i32
      %dma_start3A_260 = tpu.memref_slice %arg11[%add3A_254, %dma_start3A_259] : memref<512x64xf32, #tpu.memory_space<vmem>> -> memref<1x64xf32, #tpu.memory_space<vmem>>
      %dma_start3A_261 = arith.constant 0 : i32
      %dma_start3A_262 = tpu.memref_slice %arg5[%squeeze3A_250, %dma_start3A_261] : memref<1000000x64xf32, #tpu.memory_space<hbm>> -> memref<1x64xf32, #tpu.memory_space<hbm>>
      tpu.enqueue_dma source(%dma_start3A_262 : memref<1x64xf32, #tpu.memory_space<hbm>>) target(%dma_start3A_260 : memref<1x64xf32, #tpu.memory_space<vmem>>) target_semaphore(%arg12 : memref<!tpu.dma_semaphore, #tpu.memory_space<semaphore_mem>>)
    }
    %scan3A_7 = arith.constant 32 : i32
    %dma_wait3A = arith.constant 0 : i32
    %dma_wait3A_8 = arith.constant 0 : i32
    %dma_wait3A_9 = tpu.memref_slice %arg5[%dma_wait3A, %dma_wait3A_8] : memref<1000000x64xf32, #tpu.memory_space<hbm>> -> memref<512x64xf32, #tpu.memory_space<hbm>>
    %dma_wait3A_10 = arith.constant 0 : i32
    %dma_wait3A_11 = arith.constant 0 : i32
    %dma_wait3A_12 = tpu.memref_slice %arg5[%dma_wait3A_10, %dma_wait3A_11] : memref<1000000x64xf32, #tpu.memory_space<hbm>> -> memref<512x64xf32, #tpu.memory_space<hbm>>
    tpu.wait_dma2 semaphore(%arg12 : memref<!tpu.dma_semaphore, #tpu.memory_space<semaphore_mem>>) src(%dma_wait3A_12 : memref<512x64xf32, #tpu.memory_space<hbm>>) dst(%arg11 : memref<512x64xf32, #tpu.memory_space<vmem>>)
    "tpu.region"() ({
      %run_scoped3A = tpu.sem_alloc : memref<!tpu.dma_semaphore, #tpu.memory_space<semaphore_mem>>
      %dma_start3A = arith.constant 0 : i32
      %dma_start3A_37 = tpu.memref_slice %arg7[%mul3A_2, %dma_start3A] : memref<16384x64xf32, #tpu.memory_space<hbm>> -> memref<512x64xf32, #tpu.memory_space<hbm>>
      %dma_start3A_38 = arith.constant 0 : i32
      %dma_start3A_39 = tpu.memref_slice %arg7[%mul3A_2, %dma_start3A_38] : memref<16384x64xf32, #tpu.memory_space<hbm>> -> memref<512x64xf32, #tpu.memory_space<hbm>>
      tpu.enqueue_dma source(%arg11 : memref<512x64xf32, #tpu.memory_space<vmem>>) target(%dma_start3A_39 : memref<512x64xf32, #tpu.memory_space<hbm>>) target_semaphore(%run_scoped3A : memref<!tpu.dma_semaphore, #tpu.memory_space<semaphore_mem>>)
      %dma_wait3A_40 = arith.constant 0 : i32
      %dma_wait3A_41 = tpu.memref_slice %arg7[%mul3A_2, %dma_wait3A_40] : memref<16384x64xf32, #tpu.memory_space<hbm>> -> memref<512x64xf32, #tpu.memory_space<hbm>>
      %dma_wait3A_42 = arith.constant 0 : i32
      %dma_wait3A_43 = tpu.memref_slice %arg7[%mul3A_2, %dma_wait3A_42] : memref<16384x64xf32, #tpu.memory_space<hbm>> -> memref<512x64xf32, #tpu.memory_space<hbm>>
      tpu.wait_dma2 semaphore(%run_scoped3A : memref<!tpu.dma_semaphore, #tpu.memory_space<semaphore_mem>>) src(%arg11 : memref<512x64xf32, #tpu.memory_space<vmem>>) dst(%dma_wait3A_43 : memref<512x64xf32, #tpu.memory_space<hbm>>)
      tpu.yield
    }) : () -> ()
    "tpu.region"() ({
      %run_scoped3A = tpu.sem_alloc : memref<!tpu.dma_semaphore, #tpu.memory_space<semaphore_mem>>
      %dma_start3A = tpu.memref_slice %arg4[%mul3A_2] : memref<16384xi32, #tpu.memory_space<hbm>> -> memref<512xi32, #tpu.memory_space<hbm>>
      %dma_start3A_37 = tpu.memref_slice %arg4[%mul3A_2] : memref<16384xi32, #tpu.memory_space<hbm>> -> memref<512xi32, #tpu.memory_space<hbm>>
      tpu.enqueue_dma source(%dma_start3A_37 : memref<512xi32, #tpu.memory_space<hbm>>) target(%arg10 : memref<512xi32, #tpu.memory_space<vmem>>) target_semaphore(%run_scoped3A : memref<!tpu.dma_semaphore, #tpu.memory_space<semaphore_mem>>)
      %dma_wait3A_38 = tpu.memref_slice %arg4[%mul3A_2] : memref<16384xi32, #tpu.memory_space<hbm>> -> memref<512xi32, #tpu.memory_space<hbm>>
      %dma_wait3A_39 = tpu.memref_slice %arg4[%mul3A_2] : memref<16384xi32, #tpu.memory_space<hbm>> -> memref<512xi32, #tpu.memory_space<hbm>>
      tpu.wait_dma2 semaphore(%run_scoped3A : memref<!tpu.dma_semaphore, #tpu.memory_space<semaphore_mem>>) src(%dma_wait3A_39 : memref<512xi32, #tpu.memory_space<hbm>>) dst(%arg10 : memref<512xi32, #tpu.memory_space<vmem>>)
      tpu.yield
    }) : () -> ()
    %scan3A_13 = arith.constant 0 : i32
    %scan3A_14 = arith.constant 0 : i32
    %scan3A_15 = arith.constant 32 : i32
    %scan3A_16 = arith.addi %scan3A_14, %scan3A_15 : i32
    %scan3A_17 = arith.constant 1 : i32
    scf.for %scan3A_37 = %scan3A_14 to %scan3A_16 step %scan3A_17  : i32 {
      %mul3A_38 = arith.constant 16 : i32
      %mul3A_39 = arith.muli %scan3A_37, %mul3A_38 : i32
      %get3A = arith.index_cast %mul3A_39 : i32 to index
      %get3A_40 = tpu.vector_load %arg10[%get3A] {strides = array<i32>} : memref<512xi32, #tpu.memory_space<vmem>>, vector<16xi32>,
      %get3A_41 = vector.shape_cast %get3A_40 : vector<16xi32> to vector<16xi32>
      %slice3A = vector.extract_strided_slice %get3A_41 {offsets = [0], sizes = [1], strides = [1]} : vector<16xi32> to vector<1xi32>
      %squeeze3A = vector.extract %slice3A[0] : i32 from vector<1xi32>
      %mul3A_42 = arith.constant 16 : i32
      %mul3A_43 = arith.muli %scan3A_37, %mul3A_42 : i32
      %add3A_44 = arith.constant 0 : i32
      %add3A_45 = arith.addi %mul3A_43, %add3A_44 : i32
      %dma_start3A = arith.constant 0 : i32
      %dma_start3A_46 = tpu.memref_slice %arg11[%add3A_45, %dma_start3A] : memref<512x64xf32, #tpu.memory_space<vmem>> -> memref<1x64xf32, #tpu.memory_space<vmem>>
      %dma_start3A_47 = arith.constant 0 : i32
      %dma_start3A_48 = tpu.memref_slice %arg5[%squeeze3A, %dma_start3A_47] : memref<1000000x64xf32, #tpu.memory_space<hbm>> -> memref<1x64xf32, #tpu.memory_space<hbm>>
      %dma_start3A_49 = arith.constant 0 : i32
      %dma_start3A_50 = tpu.memref_slice %arg11[%add3A_45, %dma_start3A_49] : memref<512x64xf32, #tpu.memory_space<vmem>> -> memref<1x64xf32, #tpu.memory_space<vmem>>
      %dma_start3A_51 = arith.constant 0 : i32
      %dma_start3A_52 = tpu.memref_slice %arg5[%squeeze3A, %dma_start3A_51] : memref<1000000x64xf32, #tpu.memory_space<hbm>> -> memref<1x64xf32, #tpu.memory_space<hbm>>
      tpu.enqueue_dma source(%dma_start3A_52 : memref<1x64xf32, #tpu.memory_space<hbm>>) target(%dma_start3A_50 : memref<1x64xf32, #tpu.memory_space<vmem>>) target_semaphore(%arg12 : memref<!tpu.dma_semaphore, #tpu.memory_space<semaphore_mem>>)
      %slice3A_53 = vector.extract_strided_slice %get3A_41 {offsets = [1], sizes = [1], strides = [1]} : vector<16xi32> to vector<1xi32>
      %squeeze3A_54 = vector.extract %slice3A_53[0] : i32 from vector<1xi32>
      %mul3A_55 = arith.constant 16 : i32
      %mul3A_56 = arith.muli %scan3A_37, %mul3A_55 : i32
      %add3A_57 = arith.constant 1 : i32
      %add3A_58 = arith.addi %mul3A_56, %add3A_57 : i32
      %dma_start3A_59 = arith.constant 0 : i32
      %dma_start3A_60 = tpu.memref_slice %arg11[%add3A_58, %dma_start3A_59] : memref<512x64xf32, #tpu.memory_space<vmem>> -> memref<1x64xf32, #tpu.memory_space<vmem>>
      %dma_start3A_61 = arith.constant 0 : i32
      %dma_start3A_62 = tpu.memref_slice %arg5[%squeeze3A_54, %dma_start3A_61] : memref<1000000x64xf32, #tpu.memory_space<hbm>> -> memref<1x64xf32, #tpu.memory_space<hbm>>
      %dma_start3A_63 = arith.constant 0 : i32
      %dma_start3A_64 = tpu.memref_slice %arg11[%add3A_58, %dma_start3A_63] : memref<512x64xf32, #tpu.memory_space<vmem>> -> memref<1x64xf32, #tpu.memory_space<vmem>>
      %dma_start3A_65 = arith.constant 0 : i32
      %dma_start3A_66 = tpu.memref_slice %arg5[%squeeze3A_54, %dma_start3A_65] : memref<1000000x64xf32, #tpu.memory_space<hbm>> -> memref<1x64xf32, #tpu.memory_space<hbm>>
      tpu.enqueue_dma source(%dma_start3A_66 : memref<1x64xf32, #tpu.memory_space<hbm>>) target(%dma_start3A_64 : memref<1x64xf32, #tpu.memory_space<vmem>>) target_semaphore(%arg12 : memref<!tpu.dma_semaphore, #tpu.memory_space<semaphore_mem>>)
      %slice3A_67 = vector.extract_strided_slice %get3A_41 {offsets = [2], sizes = [1], strides = [1]} : vector<16xi32> to vector<1xi32>
      %squeeze3A_68 = vector.extract %slice3A_67[0] : i32 from vector<1xi32>
      %mul3A_69 = arith.constant 16 : i32
      %mul3A_70 = arith.muli %scan3A_37, %mul3A_69 : i32
      %add3A_71 = arith.constant 2 : i32
      %add3A_72 = arith.addi %mul3A_70, %add3A_71 : i32
      %dma_start3A_73 = arith.constant 0 : i32
      %dma_start3A_74 = tpu.memref_slice %arg11[%add3A_72, %dma_start3A_73] : memref<512x64xf32, #tpu.memory_space<vmem>> -> memref<1x64xf32, #tpu.memory_space<vmem>>
      %dma_start3A_75 = arith.constant 0 : i32
      %dma_start3A_76 = tpu.memref_slice %arg5[%squeeze3A_68, %dma_start3A_75] : memref<1000000x64xf32, #tpu.memory_space<hbm>> -> memref<1x64xf32, #tpu.memory_space<hbm>>
      %dma_start3A_77 = arith.constant 0 : i32
      %dma_start3A_78 = tpu.memref_slice %arg11[%add3A_72, %dma_start3A_77] : memref<512x64xf32, #tpu.memory_space<vmem>> -> memref<1x64xf32, #tpu.memory_space<vmem>>
      %dma_start3A_79 = arith.constant 0 : i32
      %dma_start3A_80 = tpu.memref_slice %arg5[%squeeze3A_68, %dma_start3A_79] : memref<1000000x64xf32, #tpu.memory_space<hbm>> -> memref<1x64xf32, #tpu.memory_space<hbm>>
      tpu.enqueue_dma source(%dma_start3A_80 : memref<1x64xf32, #tpu.memory_space<hbm>>) target(%dma_start3A_78 : memref<1x64xf32, #tpu.memory_space<vmem>>) target_semaphore(%arg12 : memref<!tpu.dma_semaphore, #tpu.memory_space<semaphore_mem>>)
      %slice3A_81 = vector.extract_strided_slice %get3A_41 {offsets = [3], sizes = [1], strides = [1]} : vector<16xi32> to vector<1xi32>
      %squeeze3A_82 = vector.extract %slice3A_81[0] : i32 from vector<1xi32>
      %mul3A_83 = arith.constant 16 : i32
      %mul3A_84 = arith.muli %scan3A_37, %mul3A_83 : i32
      %add3A_85 = arith.constant 3 : i32
      %add3A_86 = arith.addi %mul3A_84, %add3A_85 : i32
      %dma_start3A_87 = arith.constant 0 : i32
      %dma_start3A_88 = tpu.memref_slice %arg11[%add3A_86, %dma_start3A_87] : memref<512x64xf32, #tpu.memory_space<vmem>> -> memref<1x64xf32, #tpu.memory_space<vmem>>
      %dma_start3A_89 = arith.constant 0 : i32
      %dma_start3A_90 = tpu.memref_slice %arg5[%squeeze3A_82, %dma_start3A_89] : memref<1000000x64xf32, #tpu.memory_space<hbm>> -> memref<1x64xf32, #tpu.memory_space<hbm>>
      %dma_start3A_91 = arith.constant 0 : i32
      %dma_start3A_92 = tpu.memref_slice %arg11[%add3A_86, %dma_start3A_91] : memref<512x64xf32, #tpu.memory_space<vmem>> -> memref<1x64xf32, #tpu.memory_space<vmem>>
      %dma_start3A_93 = arith.constant 0 : i32
      %dma_start3A_94 = tpu.memref_slice %arg5[%squeeze3A_82, %dma_start3A_93] : memref<1000000x64xf32, #tpu.memory_space<hbm>> -> memref<1x64xf32, #tpu.memory_space<hbm>>
      tpu.enqueue_dma source(%dma_start3A_94 : memref<1x64xf32, #tpu.memory_space<hbm>>) target(%dma_start3A_92 : memref<1x64xf32, #tpu.memory_space<vmem>>) target_semaphore(%arg12 : memref<!tpu.dma_semaphore, #tpu.memory_space<semaphore_mem>>)
      %slice3A_95 = vector.extract_strided_slice %get3A_41 {offsets = [4], sizes = [1], strides = [1]} : vector<16xi32> to vector<1xi32>
      %squeeze3A_96 = vector.extract %slice3A_95[0] : i32 from vector<1xi32>
      %mul3A_97 = arith.constant 16 : i32
      %mul3A_98 = arith.muli %scan3A_37, %mul3A_97 : i32
      %add3A_99 = arith.constant 4 : i32
      %add3A_100 = arith.addi %mul3A_98, %add3A_99 : i32
      %dma_start3A_101 = arith.constant 0 : i32
      %dma_start3A_102 = tpu.memref_slice %arg11[%add3A_100, %dma_start3A_101] : memref<512x64xf32, #tpu.memory_space<vmem>> -> memref<1x64xf32, #tpu.memory_space<vmem>>
      %dma_start3A_103 = arith.constant 0 : i32
      %dma_start3A_104 = tpu.memref_slice %arg5[%squeeze3A_96, %dma_start3A_103] : memref<1000000x64xf32, #tpu.memory_space<hbm>> -> memref<1x64xf32, #tpu.memory_space<hbm>>
      %dma_start3A_105 = arith.constant 0 : i32
      %dma_start3A_106 = tpu.memref_slice %arg11[%add3A_100, %dma_start3A_105] : memref<512x64xf32, #tpu.memory_space<vmem>> -> memref<1x64xf32, #tpu.memory_space<vmem>>
      %dma_start3A_107 = arith.constant 0 : i32
      %dma_start3A_108 = tpu.memref_slice %arg5[%squeeze3A_96, %dma_start3A_107] : memref<1000000x64xf32, #tpu.memory_space<hbm>> -> memref<1x64xf32, #tpu.memory_space<hbm>>
      tpu.enqueue_dma source(%dma_start3A_108 : memref<1x64xf32, #tpu.memory_space<hbm>>) target(%dma_start3A_106 : memref<1x64xf32, #tpu.memory_space<vmem>>) target_semaphore(%arg12 : memref<!tpu.dma_semaphore, #tpu.memory_space<semaphore_mem>>)
      %slice3A_109 = vector.extract_strided_slice %get3A_41 {offsets = [5], sizes = [1], strides = [1]} : vector<16xi32> to vector<1xi32>
      %squeeze3A_110 = vector.extract %slice3A_109[0] : i32 from vector<1xi32>
      %mul3A_111 = arith.constant 16 : i32
      %mul3A_112 = arith.muli %scan3A_37, %mul3A_111 : i32
      %add3A_113 = arith.constant 5 : i32
      %add3A_114 = arith.addi %mul3A_112, %add3A_113 : i32
      %dma_start3A_115 = arith.constant 0 : i32
      %dma_start3A_116 = tpu.memref_slice %arg11[%add3A_114, %dma_start3A_115] : memref<512x64xf32, #tpu.memory_space<vmem>> -> memref<1x64xf32, #tpu.memory_space<vmem>>
      %dma_start3A_117 = arith.constant 0 : i32
      %dma_start3A_118 = tpu.memref_slice %arg5[%squeeze3A_110, %dma_start3A_117] : memref<1000000x64xf32, #tpu.memory_space<hbm>> -> memref<1x64xf32, #tpu.memory_space<hbm>>
      %dma_start3A_119 = arith.constant 0 : i32
      %dma_start3A_120 = tpu.memref_slice %arg11[%add3A_114, %dma_start3A_119] : memref<512x64xf32, #tpu.memory_space<vmem>> -> memref<1x64xf32, #tpu.memory_space<vmem>>
      %dma_start3A_121 = arith.constant 0 : i32
      %dma_start3A_122 = tpu.memref_slice %arg5[%squeeze3A_110, %dma_start3A_121] : memref<1000000x64xf32, #tpu.memory_space<hbm>> -> memref<1x64xf32, #tpu.memory_space<hbm>>
      tpu.enqueue_dma source(%dma_start3A_122 : memref<1x64xf32, #tpu.memory_space<hbm>>) target(%dma_start3A_120 : memref<1x64xf32, #tpu.memory_space<vmem>>) target_semaphore(%arg12 : memref<!tpu.dma_semaphore, #tpu.memory_space<semaphore_mem>>)
      %slice3A_123 = vector.extract_strided_slice %get3A_41 {offsets = [6], sizes = [1], strides = [1]} : vector<16xi32> to vector<1xi32>
      %squeeze3A_124 = vector.extract %slice3A_123[0] : i32 from vector<1xi32>
      %mul3A_125 = arith.constant 16 : i32
      %mul3A_126 = arith.muli %scan3A_37, %mul3A_125 : i32
      %add3A_127 = arith.constant 6 : i32
      %add3A_128 = arith.addi %mul3A_126, %add3A_127 : i32
      %dma_start3A_129 = arith.constant 0 : i32
      %dma_start3A_130 = tpu.memref_slice %arg11[%add3A_128, %dma_start3A_129] : memref<512x64xf32, #tpu.memory_space<vmem>> -> memref<1x64xf32, #tpu.memory_space<vmem>>
      %dma_start3A_131 = arith.constant 0 : i32
      %dma_start3A_132 = tpu.memref_slice %arg5[%squeeze3A_124, %dma_start3A_131] : memref<1000000x64xf32, #tpu.memory_space<hbm>> -> memref<1x64xf32, #tpu.memory_space<hbm>>
      %dma_start3A_133 = arith.constant 0 : i32
      %dma_start3A_134 = tpu.memref_slice %arg11[%add3A_128, %dma_start3A_133] : memref<512x64xf32, #tpu.memory_space<vmem>> -> memref<1x64xf32, #tpu.memory_space<vmem>>
      %dma_start3A_135 = arith.constant 0 : i32
      %dma_start3A_136 = tpu.memref_slice %arg5[%squeeze3A_124, %dma_start3A_135] : memref<1000000x64xf32, #tpu.memory_space<hbm>> -> memref<1x64xf32, #tpu.memory_space<hbm>>
      tpu.enqueue_dma source(%dma_start3A_136 : memref<1x64xf32, #tpu.memory_space<hbm>>) target(%dma_start3A_134 : memref<1x64xf32, #tpu.memory_space<vmem>>) target_semaphore(%arg12 : memref<!tpu.dma_semaphore, #tpu.memory_space<semaphore_mem>>)
      %slice3A_137 = vector.extract_strided_slice %get3A_41 {offsets = [7], sizes = [1], strides = [1]} : vector<16xi32> to vector<1xi32>
      %squeeze3A_138 = vector.extract %slice3A_137[0] : i32 from vector<1xi32>
      %mul3A_139 = arith.constant 16 : i32
      %mul3A_140 = arith.muli %scan3A_37, %mul3A_139 : i32
      %add3A_141 = arith.constant 7 : i32
      %add3A_142 = arith.addi %mul3A_140, %add3A_141 : i32
      %dma_start3A_143 = arith.constant 0 : i32
      %dma_start3A_144 = tpu.memref_slice %arg11[%add3A_142, %dma_start3A_143] : memref<512x64xf32, #tpu.memory_space<vmem>> -> memref<1x64xf32, #tpu.memory_space<vmem>>
      %dma_start3A_145 = arith.constant 0 : i32
      %dma_start3A_146 = tpu.memref_slice %arg5[%squeeze3A_138, %dma_start3A_145] : memref<1000000x64xf32, #tpu.memory_space<hbm>> -> memref<1x64xf32, #tpu.memory_space<hbm>>
      %dma_start3A_147 = arith.constant 0 : i32
      %dma_start3A_148 = tpu.memref_slice %arg11[%add3A_142, %dma_start3A_147] : memref<512x64xf32, #tpu.memory_space<vmem>> -> memref<1x64xf32, #tpu.memory_space<vmem>>
      %dma_start3A_149 = arith.constant 0 : i32
      %dma_start3A_150 = tpu.memref_slice %arg5[%squeeze3A_138, %dma_start3A_149] : memref<1000000x64xf32, #tpu.memory_space<hbm>> -> memref<1x64xf32, #tpu.memory_space<hbm>>
      tpu.enqueue_dma source(%dma_start3A_150 : memref<1x64xf32, #tpu.memory_space<hbm>>) target(%dma_start3A_148 : memref<1x64xf32, #tpu.memory_space<vmem>>) target_semaphore(%arg12 : memref<!tpu.dma_semaphore, #tpu.memory_space<semaphore_mem>>)
      %slice3A_151 = vector.extract_strided_slice %get3A_41 {offsets = [8], sizes = [1], strides = [1]} : vector<16xi32> to vector<1xi32>
      %squeeze3A_152 = vector.extract %slice3A_151[0] : i32 from vector<1xi32>
      %mul3A_153 = arith.constant 16 : i32
      %mul3A_154 = arith.muli %scan3A_37, %mul3A_153 : i32
      %add3A_155 = arith.constant 8 : i32
      %add3A_156 = arith.addi %mul3A_154, %add3A_155 : i32
      %dma_start3A_157 = arith.constant 0 : i32
      %dma_start3A_158 = tpu.memref_slice %arg11[%add3A_156, %dma_start3A_157] : memref<512x64xf32, #tpu.memory_space<vmem>> -> memref<1x64xf32, #tpu.memory_space<vmem>>
      %dma_start3A_159 = arith.constant 0 : i32
      %dma_start3A_160 = tpu.memref_slice %arg5[%squeeze3A_152, %dma_start3A_159] : memref<1000000x64xf32, #tpu.memory_space<hbm>> -> memref<1x64xf32, #tpu.memory_space<hbm>>
      %dma_start3A_161 = arith.constant 0 : i32
      %dma_start3A_162 = tpu.memref_slice %arg11[%add3A_156, %dma_start3A_161] : memref<512x64xf32, #tpu.memory_space<vmem>> -> memref<1x64xf32, #tpu.memory_space<vmem>>
      %dma_start3A_163 = arith.constant 0 : i32
      %dma_start3A_164 = tpu.memref_slice %arg5[%squeeze3A_152, %dma_start3A_163] : memref<1000000x64xf32, #tpu.memory_space<hbm>> -> memref<1x64xf32, #tpu.memory_space<hbm>>
      tpu.enqueue_dma source(%dma_start3A_164 : memref<1x64xf32, #tpu.memory_space<hbm>>) target(%dma_start3A_162 : memref<1x64xf32, #tpu.memory_space<vmem>>) target_semaphore(%arg12 : memref<!tpu.dma_semaphore, #tpu.memory_space<semaphore_mem>>)
      %slice3A_165 = vector.extract_strided_slice %get3A_41 {offsets = [9], sizes = [1], strides = [1]} : vector<16xi32> to vector<1xi32>
      %squeeze3A_166 = vector.extract %slice3A_165[0] : i32 from vector<1xi32>
      %mul3A_167 = arith.constant 16 : i32
      %mul3A_168 = arith.muli %scan3A_37, %mul3A_167 : i32
      %add3A_169 = arith.constant 9 : i32
      %add3A_170 = arith.addi %mul3A_168, %add3A_169 : i32
      %dma_start3A_171 = arith.constant 0 : i32
      %dma_start3A_172 = tpu.memref_slice %arg11[%add3A_170, %dma_start3A_171] : memref<512x64xf32, #tpu.memory_space<vmem>> -> memref<1x64xf32, #tpu.memory_space<vmem>>
      %dma_start3A_173 = arith.constant 0 : i32
      %dma_start3A_174 = tpu.memref_slice %arg5[%squeeze3A_166, %dma_start3A_173] : memref<1000000x64xf32, #tpu.memory_space<hbm>> -> memref<1x64xf32, #tpu.memory_space<hbm>>
      %dma_start3A_175 = arith.constant 0 : i32
      %dma_start3A_176 = tpu.memref_slice %arg11[%add3A_170, %dma_start3A_175] : memref<512x64xf32, #tpu.memory_space<vmem>> -> memref<1x64xf32, #tpu.memory_space<vmem>>
      %dma_start3A_177 = arith.constant 0 : i32
      %dma_start3A_178 = tpu.memref_slice %arg5[%squeeze3A_166, %dma_start3A_177] : memref<1000000x64xf32, #tpu.memory_space<hbm>> -> memref<1x64xf32, #tpu.memory_space<hbm>>
      tpu.enqueue_dma source(%dma_start3A_178 : memref<1x64xf32, #tpu.memory_space<hbm>>) target(%dma_start3A_176 : memref<1x64xf32, #tpu.memory_space<vmem>>) target_semaphore(%arg12 : memref<!tpu.dma_semaphore, #tpu.memory_space<semaphore_mem>>)
      %slice3A_179 = vector.extract_strided_slice %get3A_41 {offsets = [10], sizes = [1], strides = [1]} : vector<16xi32> to vector<1xi32>
      %squeeze3A_180 = vector.extract %slice3A_179[0] : i32 from vector<1xi32>
      %mul3A_181 = arith.constant 16 : i32
      %mul3A_182 = arith.muli %scan3A_37, %mul3A_181 : i32
      %add3A_183 = arith.constant 10 : i32
      %add3A_184 = arith.addi %mul3A_182, %add3A_183 : i32
      %dma_start3A_185 = arith.constant 0 : i32
      %dma_start3A_186 = tpu.memref_slice %arg11[%add3A_184, %dma_start3A_185] : memref<512x64xf32, #tpu.memory_space<vmem>> -> memref<1x64xf32, #tpu.memory_space<vmem>>
      %dma_start3A_187 = arith.constant 0 : i32
      %dma_start3A_188 = tpu.memref_slice %arg5[%squeeze3A_180, %dma_start3A_187] : memref<1000000x64xf32, #tpu.memory_space<hbm>> -> memref<1x64xf32, #tpu.memory_space<hbm>>
      %dma_start3A_189 = arith.constant 0 : i32
      %dma_start3A_190 = tpu.memref_slice %arg11[%add3A_184, %dma_start3A_189] : memref<512x64xf32, #tpu.memory_space<vmem>> -> memref<1x64xf32, #tpu.memory_space<vmem>>
      %dma_start3A_191 = arith.constant 0 : i32
      %dma_start3A_192 = tpu.memref_slice %arg5[%squeeze3A_180, %dma_start3A_191] : memref<1000000x64xf32, #tpu.memory_space<hbm>> -> memref<1x64xf32, #tpu.memory_space<hbm>>
      tpu.enqueue_dma source(%dma_start3A_192 : memref<1x64xf32, #tpu.memory_space<hbm>>) target(%dma_start3A_190 : memref<1x64xf32, #tpu.memory_space<vmem>>) target_semaphore(%arg12 : memref<!tpu.dma_semaphore, #tpu.memory_space<semaphore_mem>>)
      %slice3A_193 = vector.extract_strided_slice %get3A_41 {offsets = [11], sizes = [1], strides = [1]} : vector<16xi32> to vector<1xi32>
      %squeeze3A_194 = vector.extract %slice3A_193[0] : i32 from vector<1xi32>
      %mul3A_195 = arith.constant 16 : i32
      %mul3A_196 = arith.muli %scan3A_37, %mul3A_195 : i32
      %add3A_197 = arith.constant 11 : i32
      %add3A_198 = arith.addi %mul3A_196, %add3A_197 : i32
      %dma_start3A_199 = arith.constant 0 : i32
      %dma_start3A_200 = tpu.memref_slice %arg11[%add3A_198, %dma_start3A_199] : memref<512x64xf32, #tpu.memory_space<vmem>> -> memref<1x64xf32, #tpu.memory_space<vmem>>
      %dma_start3A_201 = arith.constant 0 : i32
      %dma_start3A_202 = tpu.memref_slice %arg5[%squeeze3A_194, %dma_start3A_201] : memref<1000000x64xf32, #tpu.memory_space<hbm>> -> memref<1x64xf32, #tpu.memory_space<hbm>>
      %dma_start3A_203 = arith.constant 0 : i32
      %dma_start3A_204 = tpu.memref_slice %arg11[%add3A_198, %dma_start3A_203] : memref<512x64xf32, #tpu.memory_space<vmem>> -> memref<1x64xf32, #tpu.memory_space<vmem>>
      %dma_start3A_205 = arith.constant 0 : i32
      %dma_start3A_206 = tpu.memref_slice %arg5[%squeeze3A_194, %dma_start3A_205] : memref<1000000x64xf32, #tpu.memory_space<hbm>> -> memref<1x64xf32, #tpu.memory_space<hbm>>
      tpu.enqueue_dma source(%dma_start3A_206 : memref<1x64xf32, #tpu.memory_space<hbm>>) target(%dma_start3A_204 : memref<1x64xf32, #tpu.memory_space<vmem>>) target_semaphore(%arg12 : memref<!tpu.dma_semaphore, #tpu.memory_space<semaphore_mem>>)
      %slice3A_207 = vector.extract_strided_slice %get3A_41 {offsets = [12], sizes = [1], strides = [1]} : vector<16xi32> to vector<1xi32>
      %squeeze3A_208 = vector.extract %slice3A_207[0] : i32 from vector<1xi32>
      %mul3A_209 = arith.constant 16 : i32
      %mul3A_210 = arith.muli %scan3A_37, %mul3A_209 : i32
      %add3A_211 = arith.constant 12 : i32
      %add3A_212 = arith.addi %mul3A_210, %add3A_211 : i32
      %dma_start3A_213 = arith.constant 0 : i32
      %dma_start3A_214 = tpu.memref_slice %arg11[%add3A_212, %dma_start3A_213] : memref<512x64xf32, #tpu.memory_space<vmem>> -> memref<1x64xf32, #tpu.memory_space<vmem>>
      %dma_start3A_215 = arith.constant 0 : i32
      %dma_start3A_216 = tpu.memref_slice %arg5[%squeeze3A_208, %dma_start3A_215] : memref<1000000x64xf32, #tpu.memory_space<hbm>> -> memref<1x64xf32, #tpu.memory_space<hbm>>
      %dma_start3A_217 = arith.constant 0 : i32
      %dma_start3A_218 = tpu.memref_slice %arg11[%add3A_212, %dma_start3A_217] : memref<512x64xf32, #tpu.memory_space<vmem>> -> memref<1x64xf32, #tpu.memory_space<vmem>>
      %dma_start3A_219 = arith.constant 0 : i32
      %dma_start3A_220 = tpu.memref_slice %arg5[%squeeze3A_208, %dma_start3A_219] : memref<1000000x64xf32, #tpu.memory_space<hbm>> -> memref<1x64xf32, #tpu.memory_space<hbm>>
      tpu.enqueue_dma source(%dma_start3A_220 : memref<1x64xf32, #tpu.memory_space<hbm>>) target(%dma_start3A_218 : memref<1x64xf32, #tpu.memory_space<vmem>>) target_semaphore(%arg12 : memref<!tpu.dma_semaphore, #tpu.memory_space<semaphore_mem>>)
      %slice3A_221 = vector.extract_strided_slice %get3A_41 {offsets = [13], sizes = [1], strides = [1]} : vector<16xi32> to vector<1xi32>
      %squeeze3A_222 = vector.extract %slice3A_221[0] : i32 from vector<1xi32>
      %mul3A_223 = arith.constant 16 : i32
      %mul3A_224 = arith.muli %scan3A_37, %mul3A_223 : i32
      %add3A_225 = arith.constant 13 : i32
      %add3A_226 = arith.addi %mul3A_224, %add3A_225 : i32
      %dma_start3A_227 = arith.constant 0 : i32
      %dma_start3A_228 = tpu.memref_slice %arg11[%add3A_226, %dma_start3A_227] : memref<512x64xf32, #tpu.memory_space<vmem>> -> memref<1x64xf32, #tpu.memory_space<vmem>>
      %dma_start3A_229 = arith.constant 0 : i32
      %dma_start3A_230 = tpu.memref_slice %arg5[%squeeze3A_222, %dma_start3A_229] : memref<1000000x64xf32, #tpu.memory_space<hbm>> -> memref<1x64xf32, #tpu.memory_space<hbm>>
      %dma_start3A_231 = arith.constant 0 : i32
      %dma_start3A_232 = tpu.memref_slice %arg11[%add3A_226, %dma_start3A_231] : memref<512x64xf32, #tpu.memory_space<vmem>> -> memref<1x64xf32, #tpu.memory_space<vmem>>
      %dma_start3A_233 = arith.constant 0 : i32
      %dma_start3A_234 = tpu.memref_slice %arg5[%squeeze3A_222, %dma_start3A_233] : memref<1000000x64xf32, #tpu.memory_space<hbm>> -> memref<1x64xf32, #tpu.memory_space<hbm>>
      tpu.enqueue_dma source(%dma_start3A_234 : memref<1x64xf32, #tpu.memory_space<hbm>>) target(%dma_start3A_232 : memref<1x64xf32, #tpu.memory_space<vmem>>) target_semaphore(%arg12 : memref<!tpu.dma_semaphore, #tpu.memory_space<semaphore_mem>>)
      %slice3A_235 = vector.extract_strided_slice %get3A_41 {offsets = [14], sizes = [1], strides = [1]} : vector<16xi32> to vector<1xi32>
      %squeeze3A_236 = vector.extract %slice3A_235[0] : i32 from vector<1xi32>
      %mul3A_237 = arith.constant 16 : i32
      %mul3A_238 = arith.muli %scan3A_37, %mul3A_237 : i32
      %add3A_239 = arith.constant 14 : i32
      %add3A_240 = arith.addi %mul3A_238, %add3A_239 : i32
      %dma_start3A_241 = arith.constant 0 : i32
      %dma_start3A_242 = tpu.memref_slice %arg11[%add3A_240, %dma_start3A_241] : memref<512x64xf32, #tpu.memory_space<vmem>> -> memref<1x64xf32, #tpu.memory_space<vmem>>
      %dma_start3A_243 = arith.constant 0 : i32
      %dma_start3A_244 = tpu.memref_slice %arg5[%squeeze3A_236, %dma_start3A_243] : memref<1000000x64xf32, #tpu.memory_space<hbm>> -> memref<1x64xf32, #tpu.memory_space<hbm>>
      %dma_start3A_245 = arith.constant 0 : i32
      %dma_start3A_246 = tpu.memref_slice %arg11[%add3A_240, %dma_start3A_245] : memref<512x64xf32, #tpu.memory_space<vmem>> -> memref<1x64xf32, #tpu.memory_space<vmem>>
      %dma_start3A_247 = arith.constant 0 : i32
      %dma_start3A_248 = tpu.memref_slice %arg5[%squeeze3A_236, %dma_start3A_247] : memref<1000000x64xf32, #tpu.memory_space<hbm>> -> memref<1x64xf32, #tpu.memory_space<hbm>>
      tpu.enqueue_dma source(%dma_start3A_248 : memref<1x64xf32, #tpu.memory_space<hbm>>) target(%dma_start3A_246 : memref<1x64xf32, #tpu.memory_space<vmem>>) target_semaphore(%arg12 : memref<!tpu.dma_semaphore, #tpu.memory_space<semaphore_mem>>)
      %slice3A_249 = vector.extract_strided_slice %get3A_41 {offsets = [15], sizes = [1], strides = [1]} : vector<16xi32> to vector<1xi32>
      %squeeze3A_250 = vector.extract %slice3A_249[0] : i32 from vector<1xi32>
      %mul3A_251 = arith.constant 16 : i32
      %mul3A_252 = arith.muli %scan3A_37, %mul3A_251 : i32
      %add3A_253 = arith.constant 15 : i32
      %add3A_254 = arith.addi %mul3A_252, %add3A_253 : i32
      %dma_start3A_255 = arith.constant 0 : i32
      %dma_start3A_256 = tpu.memref_slice %arg11[%add3A_254, %dma_start3A_255] : memref<512x64xf32, #tpu.memory_space<vmem>> -> memref<1x64xf32, #tpu.memory_space<vmem>>
      %dma_start3A_257 = arith.constant 0 : i32
      %dma_start3A_258 = tpu.memref_slice %arg5[%squeeze3A_250, %dma_start3A_257] : memref<1000000x64xf32, #tpu.memory_space<hbm>> -> memref<1x64xf32, #tpu.memory_space<hbm>>
      %dma_start3A_259 = arith.constant 0 : i32
      %dma_start3A_260 = tpu.memref_slice %arg11[%add3A_254, %dma_start3A_259] : memref<512x64xf32, #tpu.memory_space<vmem>> -> memref<1x64xf32, #tpu.memory_space<vmem>>
      %dma_start3A_261 = arith.constant 0 : i32
      %dma_start3A_262 = tpu.memref_slice %arg5[%squeeze3A_250, %dma_start3A_261] : memref<1000000x64xf32, #tpu.memory_space<hbm>> -> memref<1x64xf32, #tpu.memory_space<hbm>>
      tpu.enqueue_dma source(%dma_start3A_262 : memref<1x64xf32, #tpu.memory_space<hbm>>) target(%dma_start3A_260 : memref<1x64xf32, #tpu.memory_space<vmem>>) target_semaphore(%arg12 : memref<!tpu.dma_semaphore, #tpu.memory_space<semaphore_mem>>)
    }
    %scan3A_18 = arith.constant 32 : i32
    %dma_wait3A_19 = arith.constant 0 : i32
    %dma_wait3A_20 = arith.constant 0 : i32
    %dma_wait3A_21 = tpu.memref_slice %arg5[%dma_wait3A_19, %dma_wait3A_20] : memref<1000000x64xf32, #tpu.memory_space<hbm>> -> memref<512x64xf32, #tpu.memory_space<hbm>>
    %dma_wait3A_22 = arith.constant 0 : i32
    %dma_wait3A_23 = arith.constant 0 : i32
    %dma_wait3A_24 = tpu.memref_slice %arg5[%dma_wait3A_22, %dma_wait3A_23] : memref<1000000x64xf32, #tpu.memory_space<hbm>> -> memref<512x64xf32, #tpu.memory_space<hbm>>
    tpu.wait_dma2 semaphore(%arg12 : memref<!tpu.dma_semaphore, #tpu.memory_space<semaphore_mem>>) src(%dma_wait3A_24 : memref<512x64xf32, #tpu.memory_space<hbm>>) dst(%arg11 : memref<512x64xf32, #tpu.memory_space<vmem>>)
    "tpu.region"() ({
      %run_scoped3A = tpu.sem_alloc : memref<!tpu.dma_semaphore, #tpu.memory_space<semaphore_mem>>
      %dma_start3A = arith.constant 0 : i32
      %dma_start3A_37 = tpu.memref_slice %arg9[%mul3A_2, %dma_start3A] : memref<16384x64xf32, #tpu.memory_space<hbm>> -> memref<512x64xf32, #tpu.memory_space<hbm>>
      %dma_start3A_38 = arith.constant 0 : i32
      %dma_start3A_39 = tpu.memref_slice %arg9[%mul3A_2, %dma_start3A_38] : memref<16384x64xf32, #tpu.memory_space<hbm>> -> memref<512x64xf32, #tpu.memory_space<hbm>>
      tpu.enqueue_dma source(%arg11 : memref<512x64xf32, #tpu.memory_space<vmem>>) target(%dma_start3A_39 : memref<512x64xf32, #tpu.memory_space<hbm>>) target_semaphore(%run_scoped3A : memref<!tpu.dma_semaphore, #tpu.memory_space<semaphore_mem>>)
      %dma_wait3A_40 = arith.constant 0 : i32
      %dma_wait3A_41 = tpu.memref_slice %arg9[%mul3A_2, %dma_wait3A_40] : memref<16384x64xf32, #tpu.memory_space<hbm>> -> memref<512x64xf32, #tpu.memory_space<hbm>>
      %dma_wait3A_42 = arith.constant 0 : i32
      %dma_wait3A_43 = tpu.memref_slice %arg9[%mul3A_2, %dma_wait3A_42] : memref<16384x64xf32, #tpu.memory_space<hbm>> -> memref<512x64xf32, #tpu.memory_space<hbm>>
      tpu.wait_dma2 semaphore(%run_scoped3A : memref<!tpu.dma_semaphore, #tpu.memory_space<semaphore_mem>>) src(%arg11 : memref<512x64xf32, #tpu.memory_space<vmem>>) dst(%dma_wait3A_43 : memref<512x64xf32, #tpu.memory_space<hbm>>)
      tpu.yield
    }) : () -> ()
    "tpu.region"() ({
      %run_scoped3A = tpu.sem_alloc : memref<!tpu.dma_semaphore, #tpu.memory_space<semaphore_mem>>
      %dma_start3A = tpu.memref_slice %arg3[%mul3A_2] : memref<16384xi32, #tpu.memory_space<hbm>> -> memref<512xi32, #tpu.memory_space<hbm>>
      %dma_start3A_37 = tpu.memref_slice %arg3[%mul3A_2] : memref<16384xi32, #tpu.memory_space<hbm>> -> memref<512xi32, #tpu.memory_space<hbm>>
      tpu.enqueue_dma source(%dma_start3A_37 : memref<512xi32, #tpu.memory_space<hbm>>) target(%arg10 : memref<512xi32, #tpu.memory_space<vmem>>) target_semaphore(%run_scoped3A : memref<!tpu.dma_semaphore, #tpu.memory_space<semaphore_mem>>)
      %dma_wait3A_38 = tpu.memref_slice %arg3[%mul3A_2] : memref<16384xi32, #tpu.memory_space<hbm>> -> memref<512xi32, #tpu.memory_space<hbm>>
      %dma_wait3A_39 = tpu.memref_slice %arg3[%mul3A_2] : memref<16384xi32, #tpu.memory_space<hbm>> -> memref<512xi32, #tpu.memory_space<hbm>>
      tpu.wait_dma2 semaphore(%run_scoped3A : memref<!tpu.dma_semaphore, #tpu.memory_space<semaphore_mem>>) src(%dma_wait3A_39 : memref<512xi32, #tpu.memory_space<hbm>>) dst(%arg10 : memref<512xi32, #tpu.memory_space<vmem>>)
      tpu.yield
    }) : () -> ()
    %scan3A_25 = arith.constant 0 : i32
    %scan3A_26 = arith.constant 0 : i32
    %scan3A_27 = arith.constant 32 : i32
    %scan3A_28 = arith.addi %scan3A_26, %scan3A_27 : i32
    %scan3A_29 = arith.constant 1 : i32
    scf.for %scan3A_37 = %scan3A_26 to %scan3A_28 step %scan3A_29  : i32 {
      %mul3A_38 = arith.constant 16 : i32
      %mul3A_39 = arith.muli %scan3A_37, %mul3A_38 : i32
      %get3A = arith.index_cast %mul3A_39 : i32 to index
      %get3A_40 = tpu.vector_load %arg10[%get3A] {strides = array<i32>} : memref<512xi32, #tpu.memory_space<vmem>>, vector<16xi32>,
      %get3A_41 = vector.shape_cast %get3A_40 : vector<16xi32> to vector<16xi32>
      %slice3A = vector.extract_strided_slice %get3A_41 {offsets = [0], sizes = [1], strides = [1]} : vector<16xi32> to vector<1xi32>
      %squeeze3A = vector.extract %slice3A[0] : i32 from vector<1xi32>
      %mul3A_42 = arith.constant 16 : i32
      %mul3A_43 = arith.muli %scan3A_37, %mul3A_42 : i32
      %add3A_44 = arith.constant 0 : i32
      %add3A_45 = arith.addi %mul3A_43, %add3A_44 : i32
      %dma_start3A = arith.constant 0 : i32
      %dma_start3A_46 = tpu.memref_slice %arg11[%add3A_45, %dma_start3A] : memref<512x64xf32, #tpu.memory_space<vmem>> -> memref<1x64xf32, #tpu.memory_space<vmem>>
      %dma_start3A_47 = arith.constant 0 : i32
      %dma_start3A_48 = tpu.memref_slice %arg6[%squeeze3A, %dma_start3A_47] : memref<1000x64xf32, #tpu.memory_space<hbm>> -> memref<1x64xf32, #tpu.memory_space<hbm>>
      %dma_start3A_49 = arith.constant 0 : i32
      %dma_start3A_50 = tpu.memref_slice %arg11[%add3A_45, %dma_start3A_49] : memref<512x64xf32, #tpu.memory_space<vmem>> -> memref<1x64xf32, #tpu.memory_space<vmem>>
      %dma_start3A_51 = arith.constant 0 : i32
      %dma_start3A_52 = tpu.memref_slice %arg6[%squeeze3A, %dma_start3A_51] : memref<1000x64xf32, #tpu.memory_space<hbm>> -> memref<1x64xf32, #tpu.memory_space<hbm>>
      tpu.enqueue_dma source(%dma_start3A_52 : memref<1x64xf32, #tpu.memory_space<hbm>>) target(%dma_start3A_50 : memref<1x64xf32, #tpu.memory_space<vmem>>) target_semaphore(%arg12 : memref<!tpu.dma_semaphore, #tpu.memory_space<semaphore_mem>>)
      %slice3A_53 = vector.extract_strided_slice %get3A_41 {offsets = [1], sizes = [1], strides = [1]} : vector<16xi32> to vector<1xi32>
      %squeeze3A_54 = vector.extract %slice3A_53[0] : i32 from vector<1xi32>
      %mul3A_55 = arith.constant 16 : i32
      %mul3A_56 = arith.muli %scan3A_37, %mul3A_55 : i32
      %add3A_57 = arith.constant 1 : i32
      %add3A_58 = arith.addi %mul3A_56, %add3A_57 : i32
      %dma_start3A_59 = arith.constant 0 : i32
      %dma_start3A_60 = tpu.memref_slice %arg11[%add3A_58, %dma_start3A_59] : memref<512x64xf32, #tpu.memory_space<vmem>> -> memref<1x64xf32, #tpu.memory_space<vmem>>
      %dma_start3A_61 = arith.constant 0 : i32
      %dma_start3A_62 = tpu.memref_slice %arg6[%squeeze3A_54, %dma_start3A_61] : memref<1000x64xf32, #tpu.memory_space<hbm>> -> memref<1x64xf32, #tpu.memory_space<hbm>>
      %dma_start3A_63 = arith.constant 0 : i32
      %dma_start3A_64 = tpu.memref_slice %arg11[%add3A_58, %dma_start3A_63] : memref<512x64xf32, #tpu.memory_space<vmem>> -> memref<1x64xf32, #tpu.memory_space<vmem>>
      %dma_start3A_65 = arith.constant 0 : i32
      %dma_start3A_66 = tpu.memref_slice %arg6[%squeeze3A_54, %dma_start3A_65] : memref<1000x64xf32, #tpu.memory_space<hbm>> -> memref<1x64xf32, #tpu.memory_space<hbm>>
      tpu.enqueue_dma source(%dma_start3A_66 : memref<1x64xf32, #tpu.memory_space<hbm>>) target(%dma_start3A_64 : memref<1x64xf32, #tpu.memory_space<vmem>>) target_semaphore(%arg12 : memref<!tpu.dma_semaphore, #tpu.memory_space<semaphore_mem>>)
      %slice3A_67 = vector.extract_strided_slice %get3A_41 {offsets = [2], sizes = [1], strides = [1]} : vector<16xi32> to vector<1xi32>
      %squeeze3A_68 = vector.extract %slice3A_67[0] : i32 from vector<1xi32>
      %mul3A_69 = arith.constant 16 : i32
      %mul3A_70 = arith.muli %scan3A_37, %mul3A_69 : i32
      %add3A_71 = arith.constant 2 : i32
      %add3A_72 = arith.addi %mul3A_70, %add3A_71 : i32
      %dma_start3A_73 = arith.constant 0 : i32
      %dma_start3A_74 = tpu.memref_slice %arg11[%add3A_72, %dma_start3A_73] : memref<512x64xf32, #tpu.memory_space<vmem>> -> memref<1x64xf32, #tpu.memory_space<vmem>>
      %dma_start3A_75 = arith.constant 0 : i32
      %dma_start3A_76 = tpu.memref_slice %arg6[%squeeze3A_68, %dma_start3A_75] : memref<1000x64xf32, #tpu.memory_space<hbm>> -> memref<1x64xf32, #tpu.memory_space<hbm>>
      %dma_start3A_77 = arith.constant 0 : i32
      %dma_start3A_78 = tpu.memref_slice %arg11[%add3A_72, %dma_start3A_77] : memref<512x64xf32, #tpu.memory_space<vmem>> -> memref<1x64xf32, #tpu.memory_space<vmem>>
      %dma_start3A_79 = arith.constant 0 : i32
      %dma_start3A_80 = tpu.memref_slice %arg6[%squeeze3A_68, %dma_start3A_79] : memref<1000x64xf32, #tpu.memory_space<hbm>> -> memref<1x64xf32, #tpu.memory_space<hbm>>
      tpu.enqueue_dma source(%dma_start3A_80 : memref<1x64xf32, #tpu.memory_space<hbm>>) target(%dma_start3A_78 : memref<1x64xf32, #tpu.memory_space<vmem>>) target_semaphore(%arg12 : memref<!tpu.dma_semaphore, #tpu.memory_space<semaphore_mem>>)
      %slice3A_81 = vector.extract_strided_slice %get3A_41 {offsets = [3], sizes = [1], strides = [1]} : vector<16xi32> to vector<1xi32>
      %squeeze3A_82 = vector.extract %slice3A_81[0] : i32 from vector<1xi32>
      %mul3A_83 = arith.constant 16 : i32
      %mul3A_84 = arith.muli %scan3A_37, %mul3A_83 : i32
      %add3A_85 = arith.constant 3 : i32
      %add3A_86 = arith.addi %mul3A_84, %add3A_85 : i32
      %dma_start3A_87 = arith.constant 0 : i32
      %dma_start3A_88 = tpu.memref_slice %arg11[%add3A_86, %dma_start3A_87] : memref<512x64xf32, #tpu.memory_space<vmem>> -> memref<1x64xf32, #tpu.memory_space<vmem>>
      %dma_start3A_89 = arith.constant 0 : i32
      %dma_start3A_90 = tpu.memref_slice %arg6[%squeeze3A_82, %dma_start3A_89] : memref<1000x64xf32, #tpu.memory_space<hbm>> -> memref<1x64xf32, #tpu.memory_space<hbm>>
      %dma_start3A_91 = arith.constant 0 : i32
      %dma_start3A_92 = tpu.memref_slice %arg11[%add3A_86, %dma_start3A_91] : memref<512x64xf32, #tpu.memory_space<vmem>> -> memref<1x64xf32, #tpu.memory_space<vmem>>
      %dma_start3A_93 = arith.constant 0 : i32
      %dma_start3A_94 = tpu.memref_slice %arg6[%squeeze3A_82, %dma_start3A_93] : memref<1000x64xf32, #tpu.memory_space<hbm>> -> memref<1x64xf32, #tpu.memory_space<hbm>>
      tpu.enqueue_dma source(%dma_start3A_94 : memref<1x64xf32, #tpu.memory_space<hbm>>) target(%dma_start3A_92 : memref<1x64xf32, #tpu.memory_space<vmem>>) target_semaphore(%arg12 : memref<!tpu.dma_semaphore, #tpu.memory_space<semaphore_mem>>)
      %slice3A_95 = vector.extract_strided_slice %get3A_41 {offsets = [4], sizes = [1], strides = [1]} : vector<16xi32> to vector<1xi32>
      %squeeze3A_96 = vector.extract %slice3A_95[0] : i32 from vector<1xi32>
      %mul3A_97 = arith.constant 16 : i32
      %mul3A_98 = arith.muli %scan3A_37, %mul3A_97 : i32
      %add3A_99 = arith.constant 4 : i32
      %add3A_100 = arith.addi %mul3A_98, %add3A_99 : i32
      %dma_start3A_101 = arith.constant 0 : i32
      %dma_start3A_102 = tpu.memref_slice %arg11[%add3A_100, %dma_start3A_101] : memref<512x64xf32, #tpu.memory_space<vmem>> -> memref<1x64xf32, #tpu.memory_space<vmem>>
      %dma_start3A_103 = arith.constant 0 : i32
      %dma_start3A_104 = tpu.memref_slice %arg6[%squeeze3A_96, %dma_start3A_103] : memref<1000x64xf32, #tpu.memory_space<hbm>> -> memref<1x64xf32, #tpu.memory_space<hbm>>
      %dma_start3A_105 = arith.constant 0 : i32
      %dma_start3A_106 = tpu.memref_slice %arg11[%add3A_100, %dma_start3A_105] : memref<512x64xf32, #tpu.memory_space<vmem>> -> memref<1x64xf32, #tpu.memory_space<vmem>>
      %dma_start3A_107 = arith.constant 0 : i32
      %dma_start3A_108 = tpu.memref_slice %arg6[%squeeze3A_96, %dma_start3A_107] : memref<1000x64xf32, #tpu.memory_space<hbm>> -> memref<1x64xf32, #tpu.memory_space<hbm>>
      tpu.enqueue_dma source(%dma_start3A_108 : memref<1x64xf32, #tpu.memory_space<hbm>>) target(%dma_start3A_106 : memref<1x64xf32, #tpu.memory_space<vmem>>) target_semaphore(%arg12 : memref<!tpu.dma_semaphore, #tpu.memory_space<semaphore_mem>>)
      %slice3A_109 = vector.extract_strided_slice %get3A_41 {offsets = [5], sizes = [1], strides = [1]} : vector<16xi32> to vector<1xi32>
      %squeeze3A_110 = vector.extract %slice3A_109[0] : i32 from vector<1xi32>
      %mul3A_111 = arith.constant 16 : i32
      %mul3A_112 = arith.muli %scan3A_37, %mul3A_111 : i32
      %add3A_113 = arith.constant 5 : i32
      %add3A_114 = arith.addi %mul3A_112, %add3A_113 : i32
      %dma_start3A_115 = arith.constant 0 : i32
      %dma_start3A_116 = tpu.memref_slice %arg11[%add3A_114, %dma_start3A_115] : memref<512x64xf32, #tpu.memory_space<vmem>> -> memref<1x64xf32, #tpu.memory_space<vmem>>
      %dma_start3A_117 = arith.constant 0 : i32
      %dma_start3A_118 = tpu.memref_slice %arg6[%squeeze3A_110, %dma_start3A_117] : memref<1000x64xf32, #tpu.memory_space<hbm>> -> memref<1x64xf32, #tpu.memory_space<hbm>>
      %dma_start3A_119 = arith.constant 0 : i32
      %dma_start3A_120 = tpu.memref_slice %arg11[%add3A_114, %dma_start3A_119] : memref<512x64xf32, #tpu.memory_space<vmem>> -> memref<1x64xf32, #tpu.memory_space<vmem>>
      %dma_start3A_121 = arith.constant 0 : i32
      %dma_start3A_122 = tpu.memref_slice %arg6[%squeeze3A_110, %dma_start3A_121] : memref<1000x64xf32, #tpu.memory_space<hbm>> -> memref<1x64xf32, #tpu.memory_space<hbm>>
      tpu.enqueue_dma source(%dma_start3A_122 : memref<1x64xf32, #tpu.memory_space<hbm>>) target(%dma_start3A_120 : memref<1x64xf32, #tpu.memory_space<vmem>>) target_semaphore(%arg12 : memref<!tpu.dma_semaphore, #tpu.memory_space<semaphore_mem>>)
      %slice3A_123 = vector.extract_strided_slice %get3A_41 {offsets = [6], sizes = [1], strides = [1]} : vector<16xi32> to vector<1xi32>
      %squeeze3A_124 = vector.extract %slice3A_123[0] : i32 from vector<1xi32>
      %mul3A_125 = arith.constant 16 : i32
      %mul3A_126 = arith.muli %scan3A_37, %mul3A_125 : i32
      %add3A_127 = arith.constant 6 : i32
      %add3A_128 = arith.addi %mul3A_126, %add3A_127 : i32
      %dma_start3A_129 = arith.constant 0 : i32
      %dma_start3A_130 = tpu.memref_slice %arg11[%add3A_128, %dma_start3A_129] : memref<512x64xf32, #tpu.memory_space<vmem>> -> memref<1x64xf32, #tpu.memory_space<vmem>>
      %dma_start3A_131 = arith.constant 0 : i32
      %dma_start3A_132 = tpu.memref_slice %arg6[%squeeze3A_124, %dma_start3A_131] : memref<1000x64xf32, #tpu.memory_space<hbm>> -> memref<1x64xf32, #tpu.memory_space<hbm>>
      %dma_start3A_133 = arith.constant 0 : i32
      %dma_start3A_134 = tpu.memref_slice %arg11[%add3A_128, %dma_start3A_133] : memref<512x64xf32, #tpu.memory_space<vmem>> -> memref<1x64xf32, #tpu.memory_space<vmem>>
      %dma_start3A_135 = arith.constant 0 : i32
      %dma_start3A_136 = tpu.memref_slice %arg6[%squeeze3A_124, %dma_start3A_135] : memref<1000x64xf32, #tpu.memory_space<hbm>> -> memref<1x64xf32, #tpu.memory_space<hbm>>
      tpu.enqueue_dma source(%dma_start3A_136 : memref<1x64xf32, #tpu.memory_space<hbm>>) target(%dma_start3A_134 : memref<1x64xf32, #tpu.memory_space<vmem>>) target_semaphore(%arg12 : memref<!tpu.dma_semaphore, #tpu.memory_space<semaphore_mem>>)
      %slice3A_137 = vector.extract_strided_slice %get3A_41 {offsets = [7], sizes = [1], strides = [1]} : vector<16xi32> to vector<1xi32>
      %squeeze3A_138 = vector.extract %slice3A_137[0] : i32 from vector<1xi32>
      %mul3A_139 = arith.constant 16 : i32
      %mul3A_140 = arith.muli %scan3A_37, %mul3A_139 : i32
      %add3A_141 = arith.constant 7 : i32
      %add3A_142 = arith.addi %mul3A_140, %add3A_141 : i32
      %dma_start3A_143 = arith.constant 0 : i32
      %dma_start3A_144 = tpu.memref_slice %arg11[%add3A_142, %dma_start3A_143] : memref<512x64xf32, #tpu.memory_space<vmem>> -> memref<1x64xf32, #tpu.memory_space<vmem>>
      %dma_start3A_145 = arith.constant 0 : i32
      %dma_start3A_146 = tpu.memref_slice %arg6[%squeeze3A_138, %dma_start3A_145] : memref<1000x64xf32, #tpu.memory_space<hbm>> -> memref<1x64xf32, #tpu.memory_space<hbm>>
      %dma_start3A_147 = arith.constant 0 : i32
      %dma_start3A_148 = tpu.memref_slice %arg11[%add3A_142, %dma_start3A_147] : memref<512x64xf32, #tpu.memory_space<vmem>> -> memref<1x64xf32, #tpu.memory_space<vmem>>
      %dma_start3A_149 = arith.constant 0 : i32
      %dma_start3A_150 = tpu.memref_slice %arg6[%squeeze3A_138, %dma_start3A_149] : memref<1000x64xf32, #tpu.memory_space<hbm>> -> memref<1x64xf32, #tpu.memory_space<hbm>>
      tpu.enqueue_dma source(%dma_start3A_150 : memref<1x64xf32, #tpu.memory_space<hbm>>) target(%dma_start3A_148 : memref<1x64xf32, #tpu.memory_space<vmem>>) target_semaphore(%arg12 : memref<!tpu.dma_semaphore, #tpu.memory_space<semaphore_mem>>)
      %slice3A_151 = vector.extract_strided_slice %get3A_41 {offsets = [8], sizes = [1], strides = [1]} : vector<16xi32> to vector<1xi32>
      %squeeze3A_152 = vector.extract %slice3A_151[0] : i32 from vector<1xi32>
      %mul3A_153 = arith.constant 16 : i32
      %mul3A_154 = arith.muli %scan3A_37, %mul3A_153 : i32
      %add3A_155 = arith.constant 8 : i32
      %add3A_156 = arith.addi %mul3A_154, %add3A_155 : i32
      %dma_start3A_157 = arith.constant 0 : i32
      %dma_start3A_158 = tpu.memref_slice %arg11[%add3A_156, %dma_start3A_157] : memref<512x64xf32, #tpu.memory_space<vmem>> -> memref<1x64xf32, #tpu.memory_space<vmem>>
      %dma_start3A_159 = arith.constant 0 : i32
      %dma_start3A_160 = tpu.memref_slice %arg6[%squeeze3A_152, %dma_start3A_159] : memref<1000x64xf32, #tpu.memory_space<hbm>> -> memref<1x64xf32, #tpu.memory_space<hbm>>
      %dma_start3A_161 = arith.constant 0 : i32
      %dma_start3A_162 = tpu.memref_slice %arg11[%add3A_156, %dma_start3A_161] : memref<512x64xf32, #tpu.memory_space<vmem>> -> memref<1x64xf32, #tpu.memory_space<vmem>>
      %dma_start3A_163 = arith.constant 0 : i32
      %dma_start3A_164 = tpu.memref_slice %arg6[%squeeze3A_152, %dma_start3A_163] : memref<1000x64xf32, #tpu.memory_space<hbm>> -> memref<1x64xf32, #tpu.memory_space<hbm>>
      tpu.enqueue_dma source(%dma_start3A_164 : memref<1x64xf32, #tpu.memory_space<hbm>>) target(%dma_start3A_162 : memref<1x64xf32, #tpu.memory_space<vmem>>) target_semaphore(%arg12 : memref<!tpu.dma_semaphore, #tpu.memory_space<semaphore_mem>>)
      %slice3A_165 = vector.extract_strided_slice %get3A_41 {offsets = [9], sizes = [1], strides = [1]} : vector<16xi32> to vector<1xi32>
      %squeeze3A_166 = vector.extract %slice3A_165[0] : i32 from vector<1xi32>
      %mul3A_167 = arith.constant 16 : i32
      %mul3A_168 = arith.muli %scan3A_37, %mul3A_167 : i32
      %add3A_169 = arith.constant 9 : i32
      %add3A_170 = arith.addi %mul3A_168, %add3A_169 : i32
      %dma_start3A_171 = arith.constant 0 : i32
      %dma_start3A_172 = tpu.memref_slice %arg11[%add3A_170, %dma_start3A_171] : memref<512x64xf32, #tpu.memory_space<vmem>> -> memref<1x64xf32, #tpu.memory_space<vmem>>
      %dma_start3A_173 = arith.constant 0 : i32
      %dma_start3A_174 = tpu.memref_slice %arg6[%squeeze3A_166, %dma_start3A_173] : memref<1000x64xf32, #tpu.memory_space<hbm>> -> memref<1x64xf32, #tpu.memory_space<hbm>>
      %dma_start3A_175 = arith.constant 0 : i32
      %dma_start3A_176 = tpu.memref_slice %arg11[%add3A_170, %dma_start3A_175] : memref<512x64xf32, #tpu.memory_space<vmem>> -> memref<1x64xf32, #tpu.memory_space<vmem>>
      %dma_start3A_177 = arith.constant 0 : i32
      %dma_start3A_178 = tpu.memref_slice %arg6[%squeeze3A_166, %dma_start3A_177] : memref<1000x64xf32, #tpu.memory_space<hbm>> -> memref<1x64xf32, #tpu.memory_space<hbm>>
      tpu.enqueue_dma source(%dma_start3A_178 : memref<1x64xf32, #tpu.memory_space<hbm>>) target(%dma_start3A_176 : memref<1x64xf32, #tpu.memory_space<vmem>>) target_semaphore(%arg12 : memref<!tpu.dma_semaphore, #tpu.memory_space<semaphore_mem>>)
      %slice3A_179 = vector.extract_strided_slice %get3A_41 {offsets = [10], sizes = [1], strides = [1]} : vector<16xi32> to vector<1xi32>
      %squeeze3A_180 = vector.extract %slice3A_179[0] : i32 from vector<1xi32>
      %mul3A_181 = arith.constant 16 : i32
      %mul3A_182 = arith.muli %scan3A_37, %mul3A_181 : i32
      %add3A_183 = arith.constant 10 : i32
      %add3A_184 = arith.addi %mul3A_182, %add3A_183 : i32
      %dma_start3A_185 = arith.constant 0 : i32
      %dma_start3A_186 = tpu.memref_slice %arg11[%add3A_184, %dma_start3A_185] : memref<512x64xf32, #tpu.memory_space<vmem>> -> memref<1x64xf32, #tpu.memory_space<vmem>>
      %dma_start3A_187 = arith.constant 0 : i32
      %dma_start3A_188 = tpu.memref_slice %arg6[%squeeze3A_180, %dma_start3A_187] : memref<1000x64xf32, #tpu.memory_space<hbm>> -> memref<1x64xf32, #tpu.memory_space<hbm>>
      %dma_start3A_189 = arith.constant 0 : i32
      %dma_start3A_190 = tpu.memref_slice %arg11[%add3A_184, %dma_start3A_189] : memref<512x64xf32, #tpu.memory_space<vmem>> -> memref<1x64xf32, #tpu.memory_space<vmem>>
      %dma_start3A_191 = arith.constant 0 : i32
      %dma_start3A_192 = tpu.memref_slice %arg6[%squeeze3A_180, %dma_start3A_191] : memref<1000x64xf32, #tpu.memory_space<hbm>> -> memref<1x64xf32, #tpu.memory_space<hbm>>
      tpu.enqueue_dma source(%dma_start3A_192 : memref<1x64xf32, #tpu.memory_space<hbm>>) target(%dma_start3A_190 : memref<1x64xf32, #tpu.memory_space<vmem>>) target_semaphore(%arg12 : memref<!tpu.dma_semaphore, #tpu.memory_space<semaphore_mem>>)
      %slice3A_193 = vector.extract_strided_slice %get3A_41 {offsets = [11], sizes = [1], strides = [1]} : vector<16xi32> to vector<1xi32>
      %squeeze3A_194 = vector.extract %slice3A_193[0] : i32 from vector<1xi32>
      %mul3A_195 = arith.constant 16 : i32
      %mul3A_196 = arith.muli %scan3A_37, %mul3A_195 : i32
      %add3A_197 = arith.constant 11 : i32
      %add3A_198 = arith.addi %mul3A_196, %add3A_197 : i32
      %dma_start3A_199 = arith.constant 0 : i32
      %dma_start3A_200 = tpu.memref_slice %arg11[%add3A_198, %dma_start3A_199] : memref<512x64xf32, #tpu.memory_space<vmem>> -> memref<1x64xf32, #tpu.memory_space<vmem>>
      %dma_start3A_201 = arith.constant 0 : i32
      %dma_start3A_202 = tpu.memref_slice %arg6[%squeeze3A_194, %dma_start3A_201] : memref<1000x64xf32, #tpu.memory_space<hbm>> -> memref<1x64xf32, #tpu.memory_space<hbm>>
      %dma_start3A_203 = arith.constant 0 : i32
      %dma_start3A_204 = tpu.memref_slice %arg11[%add3A_198, %dma_start3A_203] : memref<512x64xf32, #tpu.memory_space<vmem>> -> memref<1x64xf32, #tpu.memory_space<vmem>>
      %dma_start3A_205 = arith.constant 0 : i32
      %dma_start3A_206 = tpu.memref_slice %arg6[%squeeze3A_194, %dma_start3A_205] : memref<1000x64xf32, #tpu.memory_space<hbm>> -> memref<1x64xf32, #tpu.memory_space<hbm>>
      tpu.enqueue_dma source(%dma_start3A_206 : memref<1x64xf32, #tpu.memory_space<hbm>>) target(%dma_start3A_204 : memref<1x64xf32, #tpu.memory_space<vmem>>) target_semaphore(%arg12 : memref<!tpu.dma_semaphore, #tpu.memory_space<semaphore_mem>>)
      %slice3A_207 = vector.extract_strided_slice %get3A_41 {offsets = [12], sizes = [1], strides = [1]} : vector<16xi32> to vector<1xi32>
      %squeeze3A_208 = vector.extract %slice3A_207[0] : i32 from vector<1xi32>
      %mul3A_209 = arith.constant 16 : i32
      %mul3A_210 = arith.muli %scan3A_37, %mul3A_209 : i32
      %add3A_211 = arith.constant 12 : i32
      %add3A_212 = arith.addi %mul3A_210, %add3A_211 : i32
      %dma_start3A_213 = arith.constant 0 : i32
      %dma_start3A_214 = tpu.memref_slice %arg11[%add3A_212, %dma_start3A_213] : memref<512x64xf32, #tpu.memory_space<vmem>> -> memref<1x64xf32, #tpu.memory_space<vmem>>
      %dma_start3A_215 = arith.constant 0 : i32
      %dma_start3A_216 = tpu.memref_slice %arg6[%squeeze3A_208, %dma_start3A_215] : memref<1000x64xf32, #tpu.memory_space<hbm>> -> memref<1x64xf32, #tpu.memory_space<hbm>>
      %dma_start3A_217 = arith.constant 0 : i32
      %dma_start3A_218 = tpu.memref_slice %arg11[%add3A_212, %dma_start3A_217] : memref<512x64xf32, #tpu.memory_space<vmem>> -> memref<1x64xf32, #tpu.memory_space<vmem>>
      %dma_start3A_219 = arith.constant 0 : i32
      %dma_start3A_220 = tpu.memref_slice %arg6[%squeeze3A_208, %dma_start3A_219] : memref<1000x64xf32, #tpu.memory_space<hbm>> -> memref<1x64xf32, #tpu.memory_space<hbm>>
      tpu.enqueue_dma source(%dma_start3A_220 : memref<1x64xf32, #tpu.memory_space<hbm>>) target(%dma_start3A_218 : memref<1x64xf32, #tpu.memory_space<vmem>>) target_semaphore(%arg12 : memref<!tpu.dma_semaphore, #tpu.memory_space<semaphore_mem>>)
      %slice3A_221 = vector.extract_strided_slice %get3A_41 {offsets = [13], sizes = [1], strides = [1]} : vector<16xi32> to vector<1xi32>
      %squeeze3A_222 = vector.extract %slice3A_221[0] : i32 from vector<1xi32>
      %mul3A_223 = arith.constant 16 : i32
      %mul3A_224 = arith.muli %scan3A_37, %mul3A_223 : i32
      %add3A_225 = arith.constant 13 : i32
      %add3A_226 = arith.addi %mul3A_224, %add3A_225 : i32
      %dma_start3A_227 = arith.constant 0 : i32
      %dma_start3A_228 = tpu.memref_slice %arg11[%add3A_226, %dma_start3A_227] : memref<512x64xf32, #tpu.memory_space<vmem>> -> memref<1x64xf32, #tpu.memory_space<vmem>>
      %dma_start3A_229 = arith.constant 0 : i32
      %dma_start3A_230 = tpu.memref_slice %arg6[%squeeze3A_222, %dma_start3A_229] : memref<1000x64xf32, #tpu.memory_space<hbm>> -> memref<1x64xf32, #tpu.memory_space<hbm>>
      %dma_start3A_231 = arith.constant 0 : i32
      %dma_start3A_232 = tpu.memref_slice %arg11[%add3A_226, %dma_start3A_231] : memref<512x64xf32, #tpu.memory_space<vmem>> -> memref<1x64xf32, #tpu.memory_space<vmem>>
      %dma_start3A_233 = arith.constant 0 : i32
      %dma_start3A_234 = tpu.memref_slice %arg6[%squeeze3A_222, %dma_start3A_233] : memref<1000x64xf32, #tpu.memory_space<hbm>> -> memref<1x64xf32, #tpu.memory_space<hbm>>
      tpu.enqueue_dma source(%dma_start3A_234 : memref<1x64xf32, #tpu.memory_space<hbm>>) target(%dma_start3A_232 : memref<1x64xf32, #tpu.memory_space<vmem>>) target_semaphore(%arg12 : memref<!tpu.dma_semaphore, #tpu.memory_space<semaphore_mem>>)
      %slice3A_235 = vector.extract_strided_slice %get3A_41 {offsets = [14], sizes = [1], strides = [1]} : vector<16xi32> to vector<1xi32>
      %squeeze3A_236 = vector.extract %slice3A_235[0] : i32 from vector<1xi32>
      %mul3A_237 = arith.constant 16 : i32
      %mul3A_238 = arith.muli %scan3A_37, %mul3A_237 : i32
      %add3A_239 = arith.constant 14 : i32
      %add3A_240 = arith.addi %mul3A_238, %add3A_239 : i32
      %dma_start3A_241 = arith.constant 0 : i32
      %dma_start3A_242 = tpu.memref_slice %arg11[%add3A_240, %dma_start3A_241] : memref<512x64xf32, #tpu.memory_space<vmem>> -> memref<1x64xf32, #tpu.memory_space<vmem>>
      %dma_start3A_243 = arith.constant 0 : i32
      %dma_start3A_244 = tpu.memref_slice %arg6[%squeeze3A_236, %dma_start3A_243] : memref<1000x64xf32, #tpu.memory_space<hbm>> -> memref<1x64xf32, #tpu.memory_space<hbm>>
      %dma_start3A_245 = arith.constant 0 : i32
      %dma_start3A_246 = tpu.memref_slice %arg11[%add3A_240, %dma_start3A_245] : memref<512x64xf32, #tpu.memory_space<vmem>> -> memref<1x64xf32, #tpu.memory_space<vmem>>
      %dma_start3A_247 = arith.constant 0 : i32
      %dma_start3A_248 = tpu.memref_slice %arg6[%squeeze3A_236, %dma_start3A_247] : memref<1000x64xf32, #tpu.memory_space<hbm>> -> memref<1x64xf32, #tpu.memory_space<hbm>>
      tpu.enqueue_dma source(%dma_start3A_248 : memref<1x64xf32, #tpu.memory_space<hbm>>) target(%dma_start3A_246 : memref<1x64xf32, #tpu.memory_space<vmem>>) target_semaphore(%arg12 : memref<!tpu.dma_semaphore, #tpu.memory_space<semaphore_mem>>)
      %slice3A_249 = vector.extract_strided_slice %get3A_41 {offsets = [15], sizes = [1], strides = [1]} : vector<16xi32> to vector<1xi32>
      %squeeze3A_250 = vector.extract %slice3A_249[0] : i32 from vector<1xi32>
      %mul3A_251 = arith.constant 16 : i32
      %mul3A_252 = arith.muli %scan3A_37, %mul3A_251 : i32
      %add3A_253 = arith.constant 15 : i32
      %add3A_254 = arith.addi %mul3A_252, %add3A_253 : i32
      %dma_start3A_255 = arith.constant 0 : i32
      %dma_start3A_256 = tpu.memref_slice %arg11[%add3A_254, %dma_start3A_255] : memref<512x64xf32, #tpu.memory_space<vmem>> -> memref<1x64xf32, #tpu.memory_space<vmem>>
      %dma_start3A_257 = arith.constant 0 : i32
      %dma_start3A_258 = tpu.memref_slice %arg6[%squeeze3A_250, %dma_start3A_257] : memref<1000x64xf32, #tpu.memory_space<hbm>> -> memref<1x64xf32, #tpu.memory_space<hbm>>
      %dma_start3A_259 = arith.constant 0 : i32
      %dma_start3A_260 = tpu.memref_slice %arg11[%add3A_254, %dma_start3A_259] : memref<512x64xf32, #tpu.memory_space<vmem>> -> memref<1x64xf32, #tpu.memory_space<vmem>>
      %dma_start3A_261 = arith.constant 0 : i32
      %dma_start3A_262 = tpu.memref_slice %arg6[%squeeze3A_250, %dma_start3A_261] : memref<1000x64xf32, #tpu.memory_space<hbm>> -> memref<1x64xf32, #tpu.memory_space<hbm>>
      tpu.enqueue_dma source(%dma_start3A_262 : memref<1x64xf32, #tpu.memory_space<hbm>>) target(%dma_start3A_260 : memref<1x64xf32, #tpu.memory_space<vmem>>) target_semaphore(%arg12 : memref<!tpu.dma_semaphore, #tpu.memory_space<semaphore_mem>>)
    }
    %scan3A_30 = arith.constant 32 : i32
    %dma_wait3A_31 = arith.constant 0 : i32
    %dma_wait3A_32 = arith.constant 0 : i32
    %dma_wait3A_33 = tpu.memref_slice %arg6[%dma_wait3A_31, %dma_wait3A_32] : memref<1000x64xf32, #tpu.memory_space<hbm>> -> memref<512x64xf32, #tpu.memory_space<hbm>>
    %dma_wait3A_34 = arith.constant 0 : i32
    %dma_wait3A_35 = arith.constant 0 : i32
    %dma_wait3A_36 = tpu.memref_slice %arg6[%dma_wait3A_34, %dma_wait3A_35] : memref<1000x64xf32, #tpu.memory_space<hbm>> -> memref<512x64xf32, #tpu.memory_space<hbm>>
    tpu.wait_dma2 semaphore(%arg12 : memref<!tpu.dma_semaphore, #tpu.memory_space<semaphore_mem>>) src(%dma_wait3A_36 : memref<512x64xf32, #tpu.memory_space<hbm>>) dst(%arg11 : memref<512x64xf32, #tpu.memory_space<vmem>>)
    "tpu.region"() ({
      %run_scoped3A = tpu.sem_alloc : memref<!tpu.dma_semaphore, #tpu.memory_space<semaphore_mem>>
      %dma_start3A = arith.constant 0 : i32
      %dma_start3A_37 = tpu.memref_slice %arg8[%mul3A_2, %dma_start3A] : memref<16384x64xf32, #tpu.memory_space<hbm>> -> memref<512x64xf32, #tpu.memory_space<hbm>>
      %dma_start3A_38 = arith.constant 0 : i32
      %dma_start3A_39 = tpu.memref_slice %arg8[%mul3A_2, %dma_start3A_38] : memref<16384x64xf32, #tpu.memory_space<hbm>> -> memref<512x64xf32, #tpu.memory_space<hbm>>
      tpu.enqueue_dma source(%arg11 : memref<512x64xf32, #tpu.memory_space<vmem>>) target(%dma_start3A_39 : memref<512x64xf32, #tpu.memory_space<hbm>>) target_semaphore(%run_scoped3A : memref<!tpu.dma_semaphore, #tpu.memory_space<semaphore_mem>>)
      %dma_wait3A_40 = arith.constant 0 : i32
      %dma_wait3A_41 = tpu.memref_slice %arg8[%mul3A_2, %dma_wait3A_40] : memref<16384x64xf32, #tpu.memory_space<hbm>> -> memref<512x64xf32, #tpu.memory_space<hbm>>
      %dma_wait3A_42 = arith.constant 0 : i32
      %dma_wait3A_43 = tpu.memref_slice %arg8[%mul3A_2, %dma_wait3A_42] : memref<16384x64xf32, #tpu.memory_space<hbm>> -> memref<512x64xf32, #tpu.memory_space<hbm>>
      tpu.wait_dma2 semaphore(%run_scoped3A : memref<!tpu.dma_semaphore, #tpu.memory_space<semaphore_mem>>) src(%arg11 : memref<512x64xf32, #tpu.memory_space<vmem>>) dst(%dma_wait3A_43 : memref<512x64xf32, #tpu.memory_space<hbm>>)
      tpu.yield
    }) : () -> ()
    return
  }
}

</mosaic_0001>

<sc_bundles>
// kernel: kernel.3.cloned.1.call-start
scs
__scs_entry_jumppad:
0x0: {  	(pc) =	sbr.rel $0x88, $3  }
0x1: {  	(tag) =	ssettag $0x0;
	lr =	simm.s32 $0x1  }
0x2: {  	[smem:$0x3F9C] =	sst lr;
	_ =	strace $0xD0000000  }
0x3: {  	_ = 	snop  }
0x4: {  	_ = 	snop  }
0x5: {  	_ = 	snop  }
0x6: {  	_ = 	snop  }
0x7: {  	_ = 	snop  }
__scs_overlays_trampoline_lowered:
0x8: {  	[smem:$0x3FAB] =	sst s0  }
0x9: {  	[smem:$0x3FAC] =	sst s1  }
0xa: {  	[smem:$0x3FAD] =	sst s2  }
0xb: {  	[smem:$0x3FAE] =	sst s3  }
0xc: {  	[smem:$0x3FAF] =	sst s4  }
0xd: {  	[smem:$0x3FB0] =	sst s5  }
0xe: {  	[smem:$0x3FB1] =	sst s6  }
0xf: {  	[smem:$0x3FB2] =	sst s7  }
0x10: {  	[smem:$0x3FB3] =	sst s8  }
0x11: {  	[smem:$0x3FB4] =	sst s9;
	s0 =	simm.s32 @!p0 $0x0  }
0x12: {  	s1 =	sld [smem:$0x3F9A];
	s0 =	simm.s32 @p0 $0x1  }
0x13: {  	[smem:$0x3FB5] =	sst s0;
	s0 =	simm.s32 @!p1 $0x0  }
0x14: {  	s2 =	sld [smem:$0x3F99];
	s0 =	simm.s32 @p1 $0x1  }
0x15: {  	[smem:$0x3FB6] =	sst s0;
	s0 =	simm.s32 @!p2 $0x0  }
0x16: {  	s3 =	sld [smem:$0x3FDB];
	s0 =	simm.s32 @p2 $0x1  }
0x17: {  	s4 =	simm.s32 $0x1BF5;
	[smem:$0x3FB8] =	sst s0  }
0x18: {  	s0 =	sld [smem:$0x3F9B];
	_ =	swait.ge [sflag:s4], $0x0  }
0x19: {  	s7 =	sld [smem:$0x3F9C]  }
0x1a: {  	s8 =	sadd.s32 $0xFFFFE003, lr  }
0x1b: {  	s9 =	sadd.s32 $0xFFFFFEF7, lr;
	s5 =	simm.s32 $0xFFFFFFFF;
	p2 =	slt.u32 s8, $0xFFFFF086  }
0x1c: {  	p1 =	slt.u32 s9, $0xF7A;
	s5 =	simm.s32 @!p2 $0x0  }
0x1d: {  	s5 =	simm.s32 @p1 $0x1;
	p0 =	seq.s32 s7, s2  }
0x1e: {  	s7 =	smul.u32 @!p0 $0xF7A, s2;
	p2 =	seq.s32 @!p0 s5, $0x0  }
0x1f: {  	s9 =	smul.u32 $0xF7A, s1;
	s8 =	simm.s32 @!p0 $0x1BF5;
	p2 =	por !p2, p0  }
0x20: {  	[sflag:s8] =	ssyncset.s32 @!p0 $0xFFFFF086;
	s6 =	sadd.s32 @!p0 s3, s7;
	s7 =	simm.s32 @!p0 $0x108  }
0x21: {  	s3 =	sadd.s32 s3, s9;
	s6 =	sadd.s32 @!p0 $0x88, s6;
	s7 =	simm.s32 @p2 $0x1082  }
0x22: {  	[simem:s7], [sflag:s8] =	dma.local @!p0 [hbm:s6], $0xF7A  }
0x23: {  	s9 =	sor.u32 $0xD0000000, s2;
	s6 =	simm.s32 $0x108;
	_ =	swait.ge @!p0 [sflag:s8], $0x0  }
0x24: {  	s3 =	sadd.s32 $0x88, s3;
	s6 =	simm.s32 @!p1 $0x1082;
	[sflag:s4] =	ssyncset.s32 $0xFFFFF086  }
0x25: {  	[simem:s6], [sflag:s4] =	dma.local [hbm:s3], $0xF7A  }
0x26: {  	[smem:$0x3F9C] =	sst s1;
	(tag) =	ssettag s2;
	_ =	strace s9  }
0x27: {  	s1 =	sld [smem:$0x3FAC]  }
0x28: {  	s2 =	sld [smem:$0x3FAD]  }
0x29: {  	s4 =	sld [smem:$0x3FAF]  }
0x2a: {  	p0 =	seq.s32 s5, $0x0;
	s5 =	sld [smem:$0x3FB0]  }
0x2b: {  	s6 =	sld [smem:$0x3FB1]  }
0x2c: {  	s7 =	sld [smem:$0x3FB2]  }
0x2d: {  	s3 =	simm.s32 $0x108;
	s8 =	sld [smem:$0x3FB3]  }
0x2e: {  	s3 =	simm.s32 @!p0 $0x1082;
	s9 =	sld [smem:$0x3FB4]  }
0x2f: {  	lr =	sadd.s32 s0, s3;
	s0 =	sld [smem:$0x3FAB]  }
0x30: {  	s3 =	sld [smem:$0x3FAE]  }
0x31: {  	[smem:$0x3FB7] =	sst s10  }
0x32: {  	s10 =	sld [smem:$0x3FB5];
	_ =	sdelay $0x3  }
0x33: {  	p0 =	seq.s32 s10, $0x1;
	s10 =	sld [smem:$0x3FB7];
	_ =	sdelay $0x3  }
0x34: {  	[smem:$0x3FB7] =	sst s10  }
0x35: {  	s10 =	sld [smem:$0x3FB6];
	_ =	sdelay $0x3  }
0x36: {  	p1 =	seq.s32 s10, $0x1;
	s10 =	sld [smem:$0x3FB7];
	_ =	sdelay $0x3  }
0x37: {  	[smem:$0x3FB7] =	sst s10  }
0x38: {  	s10 =	sld [smem:$0x3FB8]  }
0x39: {  	_ = 	snop;
	(pc) =	sbr.ind lr, $3  }
0x3a: {  	_ = 	snop  }
0x3b: {  	_ = 	snop  }
0x3c: {  	p2 =	seq.s32 s10, $0x1;
	s10 =	sld [smem:$0x3FB7]  }
0x3d: {  	_ =	shalt  }
0x3e: {  	_ =	shalt  }
0x3f: {  	_ =	shalt  }
0x40: {  	_ =	shalt  }
0x41: {  	_ =	shalt  }
0x42: {  	_ =	shalt  }
0x43: {  	_ =	shalt  }
0x44: {  	_ =	shalt  }
0x45: {  	_ =	shalt  }
0x46: {  	_ =	shalt  }
0x47: {  	_ =	shalt  }
0x48: {  	_ =	shalt  }
0x49: {  	_ =	shalt  }
0x4a: {  	_ =	shalt  }
0x4b: {  	_ =	shalt  }
0x4c: {  	_ =	shalt  }
0x4d: {  	_ =	shalt  }
0x4e: {  	_ =	shalt  }
0x4f: {  	_ =	shalt  }
0x50: {  	_ =	shalt  }
0x51: {  	_ =	shalt  }
0x52: {  	_ =	shalt  }
0x53: {  	_ =	shalt  }
0x54: {  	_ =	shalt  }
0x55: {  	_ =	shalt  }
0x56: {  	_ =	shalt  }
0x57: {  	_ =	shalt  }
0x58: {  	_ =	shalt  }
0x59: {  	_ =	shalt  }
0x5a: {  	_ =	shalt  }
0x5b: {  	_ =	shalt  }
0x5c: {  	_ =	shalt  }
0x5d: {  	_ =	shalt  }
0x5e: {  	_ =	shalt  }
0x5f: {  	_ =	shalt  }
0x60: {  	_ =	shalt  }
0x61: {  	_ =	shalt  }
0x62: {  	_ =	shalt  }
0x63: {  	_ =	shalt  }
0x64: {  	_ =	shalt  }
0x65: {  	_ =	shalt  }
0x66: {  	_ =	shalt  }
0x67: {  	_ =	shalt  }
0x68: {  	_ =	shalt  }
0x69: {  	_ =	shalt  }
0x6a: {  	_ =	shalt  }
0x6b: {  	_ =	shalt  }
0x6c: {  	_ =	shalt  }
0x6d: {  	_ =	shalt  }
0x6e: {  	_ =	shalt  }
0x6f: {  	_ =	shalt  }
0x70: {  	_ =	shalt  }
0x71: {  	_ =	shalt  }
0x72: {  	_ =	shalt  }
0x73: {  	_ =	shalt  }
0x74: {  	_ =	shalt  }
0x75: {  	_ =	shalt  }
0x76: {  	_ =	shalt  }
0x77: {  	_ =	shalt  }
0x78: {  	_ =	shalt  }
0x79: {  	_ =	shalt  }
0x7a: {  	_ =	shalt  }
0x7b: {  	_ =	shalt  }
0x7c: {  	_ =	shalt  }
0x7d: {  	_ =	shalt  }
0x7e: {  	_ =	shalt  }
0x7f: {  	_ =	shalt  }
0x80: {  	_ =	shalt  }
0x81: {  	_ =	shalt  }
0x82: {  	_ =	shalt  }
0x83: {  	_ =	shalt  }
0x84: {  	_ =	shalt  }
0x85: {  	_ =	shalt  }
0x86: {  	_ =	shalt  }
0x87: {  	_ =	shalt  }
.Lfunc_end0:
.L_simem_size_0:
called_computation_lowered:
.L_overlay_start_0:
0x88: {  	s2 =	sld [smem:$0x3FD9]  }
0x89: {  	s3 =	sld [smem:$0x3FFE];
	_ =	sdelay $0x1  }
0x8a: {  	s1 =	srdreg.scid  }
0x8b: {  	s0 =	sand.u32 $0x1, s1  }
0x8c: {  	s14 =	sshll.u32 s0, $0xA;
	s2 =	sadd.s32 s3, s2  }
0x8d: {  	s2 =	sadd.s32 s2, s14  }
0x8e: {  	[smem:$0x3FC3] =	sst s2  }
0x8f: {  	_ = 	snop  }
0x90: {  	s2 =	sld [smem:$0x3FD0]  }
0x91: {  	s15 =	sld [smem:$0x3FC9]  }
0x92: {  	s4 =	sld [smem:$0x3FC8]  }
0x93: {  	s6 =	simm.s32 $0xA;
	s7 =	simm.s32 $0x10;
	s5 =	sld [smem:$0x3FC7]  }
0x94: {  	[smem:s7], [sflag:s6] =	dma.local [hbm:s2], $0x1  }
0x95: {  	_ =	swait.eq [sflag:s6], $0x1  }
0x96: {  	[sflag:s6] =	ssyncset.done $0x0  }
0x97: {  	[sflag:s6] =	ssyncadd.s32 $0xFFFFFFFF  }
0x98: {  	s16 =	sld [smem:$0x12];
	(tm) =	ssettm $0x1  }
0x99: {  	s17 =	sld [smem:$0x3FFB];
	_ =	sdelay $0x3  }
0x9a: {  	_ =	strace s17  }
0x9b: {  	s6 =	sld [smem:$0x3FFC];
	_ =	sdelay $0x3  }
0x9c: {  	_ =	strace s6  }
0x9d: {  	s6 =	sld [smem:$0x3FFD];
	_ =	sdelay $0x3  }
0x9e: {  	_ =	strace s6  }
0x9f: {  	_ =	strace $0x8FFFFFFF  }
0xa0: {  	s18 =	sld [smem:$0x3FDB];
	_ =	sdelay $0x1  }
0xa1: {  	s19 =	simm.s32 $_scs_section_size  }
0xa2: {  	s8 =	simm.s32 $_size__tile_overlayer_lowered;
	s9 =	simm.s32 $_tile_overlayer_lowered  }
0xa3: {  	s22 =	simm.s32 $0x1BFF;
	s21 =	sshll.u32 s9, $0x1;
	s6 =	sadd.s32 s19, s18  }
0xa4: {  	s10 =	simm.s32 $0x0;
	s20 =	sshll.u32 s8, $0x1;
	s8 =	sadd.s32 s21, s6  }
0xa5: {  	[timem:s10], [sflag:s22] =	dma.local [hbm:s8], s20  }
0xa6: {  	_ =	swait.ge [sflag:s22], s20  }
0xa7: {  	s7 =	ssub.s32 $0x0, s20;
	[sflag:s22] =	ssyncset.done $0x0  }
0xa8: {  	[sflag:s22] =	ssyncadd.s32 s7;
	_ =	sdelay $0x1  }
0xa9: {  	s23 =	simm.s32 $0x1B8B  }
0xaa: {  	_ =	swait.ge [sflag:s23], $0x1  }
0xab: {  	[sflag:s23] =	ssyncset.done $0x0  }
0xac: {  	s25 =	simm.s32 $0x1B8E;
	s24 =	sld [smem:$0x3FFE];
	[sflag:s23] =	ssyncadd.s32 $0xFFFFFFFF  }
0xad: {  	s26 =	simm.s32 $execute0_lowered;
	[smem:$0x3FD2] =	sst s25  }
0xae: {  	s8 =	sshll.u32 s26, $0x1;
	_ =	strace $0x80000046;
	[dreg:$0x1] =	wrdreg $0xFFFFFFFF  }
0xaf: {  	s28 =	simm.s32 $_size_execute0_lowered;
	s6 =	sadd.s32 s6, s8;
	[dreg:$0x0] =	wrdreg $0x0  }
0xb0: {  	s8 =	sshll.u32 s28, $0x1;
	[dreg:$0x2] =	wrdreg s6  }
0xb1: {  	[dreg:$0x3] =	wrdreg s8  }
0xb2: {  	[dreg:$0x4] =	wrdreg $0xC0  }
0xb3: {  	_ =	task [dreg:s10], $0x5FFFF  }
0xb4: {  	[dreg:$0x1] =	wrdreg $0xFFFFFFFF  }
0xb5: {  	[dreg:$0x0] =	wrdreg $0x60  }
0xb6: {  	[dreg:$0x2] =	wrdreg s15  }
0xb7: {  	[dreg:$0x3] =	wrdreg s4  }
0xb8: {  	[dreg:$0x4] =	wrdreg s5  }
0xb9: {  	[dreg:$0x5] =	wrdreg s24  }
0xba: {  	[dreg:$0x6] =	wrdreg s16  }
0xbb: {  	[dreg:$0x7] =	wrdreg $0x9  }
0xbc: {  	_ =	task.clear_ibuf [dreg:s10], $0x8FFFF;
	_ =	strace $0x90000046  }
0xbd: {  	s29 =	simm.s32 $0x9;
	_ =	strace $0x80000048  }
0xbe: {  	_ =	swait.ge [sflag:s29], $0x1  }
0xbf: {  	[sflag:s29] =	ssyncadd.s32 $0xFFFFFFFF  }
0xc0: {  	_ =	strace $0x90000048  }
0xc1: {  	_ =	sfence  }
0xc2: {  	s30 =	sld [smem:$0x0];
	_ =	sdelay $0x2  }
0xc3: {  	s31 =	sshll.u32 s1, $0xD;
	s1 =	sshrl.u32 s1, $0x2  }
0xc4: {  	s3 =	sand.u32 $0x4000, s31;
	s1 =	sadd.s32 s1, s30  }
0xc5: {  	s0 =	sor.u32 s3, s0;
	s1 =	sshll.u32 s1, $0x11  }
0xc6: {  	s0 =	sor.u32 s1, s0  }
0xc7: {  	s0 =	sadd.s32 $0x8F2B, s0  }
0xc8: {  	[sflag:s0] =	ssyncadd.remote.s32 $0x1  }
0xc9: {  	_ =	sfence.sel $0xFFFF  }
0xca: {  	[dreg:$0x0] =	wrdreg $0xFFFFFFFF;
	(pc) =	sbr.abs _section_cstart, $3  }
0xcb: {  	[dreg:$0x1] =	wrdreg $0xFFFFFFFF  }
0xcc: {  	_ =	task.clear_ibuf [dreg:s10], $0x2FFFF;
	_ =	strace $0x9FFFFFFF  }
0xcd: {  	(tm) =	ssettm $0x7FFFFFFF  }
tec
execute0_lowered:
.L_overlay_start_1:
0x0: {  	(tag) =	ssettag $0x1  }
0x1: {  	s5 =	rddreg [dreg:$0x0]  }
0x2: {  	s9 =	rddreg [dreg:$0x1]  }
0x3: {  	s7 =	rddreg [dreg:$0x2]  }
0x4: {  	s6 =	rddreg [dreg:$0x3]  }
0x5: {  	s2 =	rddreg [dreg:$0x4]  }
0x6: {  	s4 =	srdreg.scid;
	s3 =	simm.s32 $0x0;
	s0 =	stileid.u32  }
0x7: {  	s13 =	simm.s32 $0x1;
	s14 =	simm.s32 $0x200;
	s15 =	simm.s32 $0x0  }
0x8: {  	s8 =	sand.u32 $0x1, s4;
	[smem:$0x7FF] =	sst s3;
	s26 =	sshll.u32 s0, $0xA  }
0x9: {  	s4 =	sadd.s32 $0x1200, s6;
	s10 =	sshll.u32 s8, $0x9;
	s8 =	ssub.s32 $0x2, s8  }
0xa: {  	_ =	strace $0x80000047;
	s10 =	sor.u32 s10, s26;
	s28 =	sshrl.u32 s8, $0x1  }
0xb: {  	s11 =	sshll.u32 s10, $0x4;
	s10 =	sshrl.u32 s10, $0x3;
	s12 =	ssub.s32 s8, s28  }
0xc: {  	s11 =	sadd.s32 s11, s6;
	s29 =	sadd.s32 s5, s10;
	s31 =	sadd.s32 s7, s10  }
0xd: {  	s9 =	sadd.s32 s9, s10;
	[dreg:$0x6] =	wrdreg s29;
	s30 =	sadd.s32 $0xF43600, s11  }
0xe: {  	[dreg:$0x8] =	wrdreg s31;
	s8 =	sadd.s32 $0xFC3600, s11;
	s10 =	sadd.s32 $0xF83600, s11  }
0xf: {  	s11 =	smax.u32 s12, $0x1;
	s12 =	simm.s32 $0x2;
	[dreg:$0x7] =	wrdreg s30  }
.LBB2_1:
0x10: {  	s0 =	rddreg [dreg:$0x6]  }
0x11: {  	[tilespmem:s3], [sflag:$0x2] =	stream.linear.gather [hbm4b:s0+s3], $0x200, $0x38;
	[tilespmem:$0x10200] =	vst v63  }
0x12: {  	_ =	swait.ge [sflag:s12], $0x200  }
0x13: {  	[sflag:s12] =	ssyncset.done $0x0  }
0x14: {  	[sflag:s12] =	ssyncadd.s32 $0xFFFFFE00  }
0x15: {  	v0 =	vld [tilespmem:s3+$0x0];
	_ =	sdelay $0x4  }
0x16: {  	v0 =	vshll.u32 v0, $0x4  }
0x17: {  	(v2sf) =	vpush v0, $0x0  }
0x18: {  	(v2sf) =	vpush v0, $0x1  }
0x19: {  	(v2sf) =	vpush v0, $0x2;
	_ =	sdelay $0x1  }
0x1a: {  	(v2sf) =	vpush v0, $0x4;
	_ =	sdelay $0x1  }
0x1b: {  	(v2sf) =	vpush v0, $0x3  }
0x1c: {  	(v2sf) =	vpush v0, $0x5  }
0x1d: {  	s17 =	simm.s32 $0x2000;
	s16 =	simm.s32 $0x0;
	s18 =	simm.s32 $0x0;
	(v2sf) =	vpush v0, $0x6  }
.LBB2_2:
0x1e: {  	p0 =	sne.s32 s17, $0x3E000  }
0x1f: {  	s29 =	sadd.s32 $0x280, s16;
	s22 =	sadd.s32 $0x780, s16;
	s19 =	smov.u32 s17  }
0x20: {  	s17 =	sadd.s32 $0x2000, s17;
	s25 =	sadd.s32 $0x580, s16;
	s20 =	sadd.s32 $0x800, s16;
	(v2sf) =	vpush v0, $0x7  }
0x21: {  	s28 =	sadd.s32 $0x480, s16;
	s24 =	sadd.s32 $0x600, s16;
	s21 =	sadd.s32 $0x880, s16  }
0x22: {  	s30 =	sadd.s32 $0x200, s16;
	s31 =	sadd.s32 $0x400, s16;
	(v2sf) =	vpush v0, $0x8  }
0x23: {  	s0 =	sadd.s32 $0x500, s16;
	s18 =	sadd.s32 $0x10, s18  }
0x24: {  	s1 =	sadd.s32 $0x300, s16;
	s23 =	sadd.s32 $0x700, s16;
	s26 =	spop (v2sf);
	(v2sf) =	vpush v0, $0x9  }
0x25: {  	s5 =	sand.u32 $0x1FFFFFF0, s26;
	s26 =	sadd.s32 $0x680, s16;
	s6 =	spop (v2sf)  }
0x26: {  	s5 =	sadd.s32 s4, s5;
	s6 =	sand.u32 $0x1FFFFFF0, s6;
	s7 =	spop (v2sf);
	(v2sf) =	vpush v0, $0xA  }
0x27: {  	[tilespmem:s30], [sflag:$0x1] =	stream.linear.gather [hbm4b:s5+s3], $0x80, $0x38;
	[tilespmem:$0x10200] =	vst v63  }
0x28: {  	s5 =	sadd.s32 s4, s6;
	s6 =	sadd.s32 $0x380, s16;
	s30 =	spop (v2sf);
	(v2sf) =	vpush v0, $0xB  }
0x29: {  	[tilespmem:s29], [sflag:$0x1] =	stream.linear.gather [hbm4b:s5+s3], $0x80, $0x38;
	[tilespmem:$0x10200] =	vst v63  }
0x2a: {  	s5 =	sand.u32 $0x1FFFFFF0, s7;
	s7 =	sand.u32 $0x1FFFFFF0, s30;
	s29 =	spop (v2sf);
	(v2sf) =	vpush v0, $0xC  }
0x2b: {  	s5 =	sadd.s32 s4, s5;
	s29 =	sand.u32 $0x1FFFFFF0, s29;
	s30 =	spop (v2sf)  }
0x2c: {  	[tilespmem:s1], [sflag:$0x1] =	stream.linear.gather [hbm4b:s5+s3], $0x80, $0x38;
	(v2sf) =	vpush v0, $0xD;
	[tilespmem:$0x10200] =	vst v63  }
0x2d: {  	s1 =	sadd.s32 s4, s29;
	s5 =	sand.u32 $0x1FFFFFF0, s30;
	s29 =	spop (v2sf)  }
0x2e: {  	[tilespmem:s6], [sflag:$0x1] =	stream.linear.gather [hbm4b:s1+s3], $0x80, $0x38;
	(v2sf) =	vpush v0, $0xE;
	[tilespmem:$0x10200] =	vst v63  }
0x2f: {  	s1 =	sadd.s32 s4, s7;
	s6 =	sand.u32 $0x1FFFFFF0, s29;
	s7 =	spop (v2sf)  }
0x30: {  	[tilespmem:s31], [sflag:$0x1] =	stream.linear.gather [hbm4b:s1+s3], $0x80, $0x38;
	(v2sf) =	vpush v0, $0xF;
	[tilespmem:$0x10200] =	vst v63  }
0x31: {  	s1 =	sadd.s32 s4, s5;
	s5 =	sand.u32 $0x1FFFFFF0, s7;
	s7 =	spop (v2sf)  }
0x32: {  	[tilespmem:s28], [sflag:$0x1] =	stream.linear.gather [hbm4b:s1+s3], $0x80, $0x38;
	[tilespmem:$0x10200] =	vst v63  }
0x33: {  	s1 =	sadd.s32 s4, s6;
	s6 =	sand.u32 $0x1FFFFFF0, s7;
	s7 =	spop (v2sf)  }
0x34: {  	[tilespmem:s0], [sflag:$0x1] =	stream.linear.gather [hbm4b:s1+s3], $0x80, $0x38;
	[tilespmem:$0x10200] =	vst v63  }
0x35: {  	s0 =	sadd.s32 s4, s5;
	s1 =	sand.u32 $0x1FFFFFF0, s7;
	s5 =	spop (v2sf)  }
0x36: {  	[tilespmem:s25], [sflag:$0x1] =	stream.linear.gather [hbm4b:s0+s3], $0x80, $0x38;
	[tilespmem:$0x10200] =	vst v63  }
0x37: {  	s0 =	sadd.s32 s4, s6;
	s5 =	sand.u32 $0x1FFFFFF0, s5;
	s6 =	spop (v2sf)  }
0x38: {  	[tilespmem:s24], [sflag:$0x1] =	stream.linear.gather [hbm4b:s0+s3], $0x80, $0x38;
	[tilespmem:$0x10200] =	vst v63  }
0x39: {  	s0 =	sadd.s32 s4, s1;
	s1 =	sand.u32 $0x1FFFFFF0, s6;
	s6 =	spop (v2sf)  }
0x3a: {  	[tilespmem:s26], [sflag:$0x1] =	stream.linear.gather [hbm4b:s0+s3], $0x80, $0x38;
	[tilespmem:$0x10200] =	vst v63  }
0x3b: {  	s0 =	sadd.s32 s4, s5;
	s5 =	sand.u32 $0x1FFFFFF0, s6;
	s6 =	spop (v2sf)  }
0x3c: {  	[tilespmem:s23], [sflag:$0x1] =	stream.linear.gather [hbm4b:s0+s3], $0x80, $0x38;
	[tilespmem:$0x10200] =	vst v63  }
0x3d: {  	s0 =	sadd.s32 s4, s1;
	s1 =	sand.u32 $0x1FFFFFF0, s6;
	s6 =	spop (v2sf)  }
0x3e: {  	[tilespmem:s22], [sflag:$0x1] =	stream.linear.gather [hbm4b:s0+s3], $0x80, $0x38;
	[tilespmem:$0x10200] =	vst v63  }
0x3f: {  	s0 =	sadd.s32 s4, s5;
	s5 =	sand.u32 $0x1FFFFFF0, s6;
	s6 =	spop (v2sf)  }
0x40: {  	[tilespmem:s20], [sflag:$0x1] =	stream.linear.gather [hbm4b:s0+s3], $0x80, $0x38;
	[tilespmem:$0x10200] =	vst v63  }
0x41: {  	s0 =	sadd.s32 s4, s1;
	s1 =	sand.u32 $0x1FFFFFF0, s6  }
0x42: {  	[tilespmem:s21], [sflag:$0x1] =	stream.linear.gather [hbm4b:s0+s3], $0x80, $0x38;
	[tilespmem:$0x10200] =	vst v63  }
0x43: {  	s5 =	sadd.s32 s4, s5;
	s0 =	sadd.s32 $0x900, s16  }
0x44: {  	[tilespmem:s0], [sflag:$0x1] =	stream.linear.gather [hbm4b:s5+s3], $0x80, $0x38;
	[tilespmem:$0x10200] =	vst v63  }
0x45: {  	s1 =	sadd.s32 s4, s1;
	s0 =	sadd.s32 $0x980, s16  }
0x46: {  	[tilespmem:s0], [sflag:$0x1] =	stream.linear.gather [hbm4b:s1+s3], $0x80, $0x38;
	[tilespmem:$0x10200] =	vst v63  }
0x47: {  	v0 =	vld [tilespmem:s18+$0x0];
	_ =	sdelay $0x4  }
0x48: {  	v0 =	vshll.u32 v0, $0x4  }
0x49: {  	(v2sf) =	vpush v0, $0x0  }
0x4a: {  	(v2sf) =	vpush v0, $0x1  }
0x4b: {  	(v2sf) =	vpush v0, $0x2;
	_ =	sdelay $0x1  }
0x4c: {  	(v2sf) =	vpush v0, $0x4  }
.Ltmp0:
0x4d: {  	(pc) =	sbr.rel @p0 .LBB2_2-.Ltmp0, $3  }
0x4e: {  	(v2sf) =	vpush v0, $0x3  }
0x4f: {  	(v2sf) =	vpush v0, $0x5;
	_ =	sdelay $0x1  }
0x50: {  	s16 =	sshra.s32 s19, $0x2;
	(v2sf) =	vpush v0, $0x6  }
0x51: {  	_ =	sdelay $0x1  }
0x52: {  	s0 =	sadd.s32 $0x280, s16;
	s19 =	sadd.s32 $0x780, s16  }
0x53: {  	s1 =	sadd.s32 $0x580, s16;
	s17 =	sadd.s32 $0x800, s16;
	(v2sf) =	vpush v0, $0x7;
	s5 =	sadd.s32 $0x480, s16  }
0x54: {  	s6 =	sadd.s32 $0x600, s16;
	s18 =	sadd.s32 $0x880, s16;
	s7 =	sadd.s32 $0x200, s16  }
0x55: {  	s20 =	sadd.s32 $0x400, s16;
	s21 =	sadd.s32 $0x500, s16;
	(v2sf) =	vpush v0, $0x8;
	s22 =	spop (v2sf)  }
0x56: {  	s23 =	sadd.s32 $0x300, s16;
	s22 =	sand.u32 $0x1FFFFFF0, s22;
	s24 =	spop (v2sf)  }
0x57: {  	(v2sf) =	vpush v0, $0x9;
	s22 =	sadd.s32 s4, s22;
	s24 =	sand.u32 $0x1FFFFFF0, s24;
	s25 =	spop (v2sf)  }
0x58: {  	[tilespmem:s7], [sflag:$0x1] =	stream.linear.gather [hbm4b:s22+s3], $0x80, $0x38;
	[tilespmem:$0x10200] =	vst v63  }
0x59: {  	s26 =	sadd.s32 $0x380, s16;
	(v2sf) =	vpush v0, $0xA;
	s30 =	sadd.s32 s4, s24;
	s31 =	spop (v2sf)  }
0x5a: {  	[tilespmem:s0], [sflag:$0x1] =	stream.linear.gather [hbm4b:s30+s3], $0x80, $0x38;
	[tilespmem:$0x10200] =	vst v63  }
0x5b: {  	s7 =	sadd.s32 $0x700, s16;
	s28 =	sand.u32 $0x1FFFFFF0, s25;
	(v2sf) =	vpush v0, $0xB;
	s29 =	spop (v2sf)  }
0x5c: {  	s22 =	sadd.s32 s4, s28;
	s0 =	sadd.s32 $0x680, s16;
	s25 =	sand.u32 $0x1FFFFFF0, s29  }
0x5d: {  	(v2sf) =	vpush v0, $0xC;
	[tilespmem:s23], [sflag:$0x1] =	stream.linear.gather [hbm4b:s22+s3], $0x80, $0x38;
	[tilespmem:$0x10200] =	vst v63  }
0x5e: {  	s30 =	sand.u32 $0x1FFFFFF0, s31;
	s31 =	spop (v2sf);
	s28 =	sadd.s32 s4, s25  }
0x5f: {  	(v2sf) =	vpush v0, $0xD;
	[tilespmem:s26], [sflag:$0x1] =	stream.linear.gather [hbm4b:s28+s3], $0x80, $0x38;
	[tilespmem:$0x10200] =	vst v63  }
0x60: {  	s22 =	sadd.s32 s4, s30;
	s23 =	sand.u32 $0x1FFFFFF0, s31;
	s29 =	spop (v2sf)  }
0x61: {  	(v2sf) =	vpush v0, $0xE;
	[tilespmem:s20], [sflag:$0x1] =	stream.linear.gather [hbm4b:s22+s3], $0x80, $0x38;
	[tilespmem:$0x10200] =	vst v63  }
0x62: {  	s23 =	sadd.s32 s4, s23;
	s30 =	sand.u32 $0x1FFFFFF0, s29;
	s31 =	spop (v2sf)  }
0x63: {  	(v2sf) =	vpush v0, $0xF;
	[tilespmem:s5], [sflag:$0x1] =	stream.linear.gather [hbm4b:s23+s3], $0x80, $0x38;
	[tilespmem:$0x10200] =	vst v63  }
0x64: {  	s24 =	sand.u32 $0x1FFFFFF0, s31;
	s25 =	spop (v2sf);
	s20 =	sadd.s32 s4, s30  }
0x65: {  	[tilespmem:s21], [sflag:$0x1] =	stream.linear.gather [hbm4b:s20+s3], $0x80, $0x38;
	[tilespmem:$0x10200] =	vst v63  }
0x66: {  	s26 =	sand.u32 $0x1FFFFFF0, s25;
	s5 =	sadd.s32 s4, s24;
	s28 =	spop (v2sf)  }
0x67: {  	[tilespmem:s1], [sflag:$0x1] =	stream.linear.gather [hbm4b:s5+s3], $0x80, $0x38;
	[tilespmem:$0x10200] =	vst v63  }
0x68: {  	s20 =	sadd.s32 s4, s26;
	s29 =	sand.u32 $0x1FFFFFF0, s28;
	s30 =	spop (v2sf)  }
0x69: {  	[tilespmem:s6], [sflag:$0x1] =	stream.linear.gather [hbm4b:s20+s3], $0x80, $0x38;
	[tilespmem:$0x10200] =	vst v63  }
0x6a: {  	s5 =	sand.u32 $0x1FFFFFF0, s30;
	s1 =	sadd.s32 s4, s29;
	s31 =	spop (v2sf)  }
0x6b: {  	[tilespmem:s0], [sflag:$0x1] =	stream.linear.gather [hbm4b:s1+s3], $0x80, $0x38;
	[tilespmem:$0x10200] =	vst v63  }
0x6c: {  	s5 =	sadd.s32 s4, s5;
	s6 =	sand.u32 $0x1FFFFFF0, s31;
	s20 =	spop (v2sf)  }
0x6d: {  	[tilespmem:s7], [sflag:$0x1] =	stream.linear.gather [hbm4b:s5+s3], $0x80, $0x38;
	[tilespmem:$0x10200] =	vst v63  }
0x6e: {  	s0 =	sadd.s32 s4, s6;
	s1 =	sand.u32 $0x1FFFFFF0, s20;
	s21 =	spop (v2sf)  }
0x6f: {  	[tilespmem:s19], [sflag:$0x1] =	stream.linear.gather [hbm4b:s0+s3], $0x80, $0x38;
	[tilespmem:$0x10200] =	vst v63  }
0x70: {  	s22 =	sand.u32 $0x1FFFFFF0, s21;
	s1 =	sadd.s32 s4, s1;
	s23 =	spop (v2sf)  }
0x71: {  	[tilespmem:s17], [sflag:$0x1] =	stream.linear.gather [hbm4b:s1+s3], $0x80, $0x38;
	[tilespmem:$0x10200] =	vst v63  }
0x72: {  	s24 =	sand.u32 $0x1FFFFFF0, s23;
	s25 =	spop (v2sf);
	s0 =	sadd.s32 s4, s22  }
0x73: {  	[tilespmem:s18], [sflag:$0x1] =	stream.linear.gather [hbm4b:s0+s3], $0x80, $0x38;
	[tilespmem:$0x10200] =	vst v63  }
0x74: {  	s28 =	sadd.s32 $0x900, s16;
	s26 =	sand.u32 $0x1FFFFFF0, s25;
	s1 =	sadd.s32 s4, s24  }
0x75: {  	[tilespmem:s28], [sflag:$0x1] =	stream.linear.gather [hbm4b:s1+s3], $0x80, $0x38;
	[tilespmem:$0x10200] =	vst v63  }
0x76: {  	s29 =	sadd.s32 $0x980, s16;
	s0 =	sadd.s32 s4, s26  }
0x77: {  	[tilespmem:s29], [sflag:$0x1] =	stream.linear.gather [hbm4b:s0+s3], $0x80, $0x38;
	[tilespmem:$0x10200] =	vst v63  }
0x78: {  	_ =	swait.ge [sflag:s13], $0x10000  }
0x79: {  	[sflag:s13] =	ssyncset.done $0x0  }
0x7a: {  	s17 =	simm.s32 $0x0;
	s30 =	rddreg [dreg:$0x7];
	[sflag:s13] =	ssyncadd.s32 $0xFFFF0000  }
0x7b: {  	[hbm4b:s30+s17] =	stream.linear.scatter [tilespmem:s14], [sflag:$0x2], $0x10000, $0x38;
	[tilespmem:$0x10200] =	vst v63  }
0x7c: {  	_ =	swait.ge [sflag:s12], $0x10000  }
0x7d: {  	[sflag:s12] =	ssyncset.done $0x0  }
0x7e: {  	s31 =	rddreg [dreg:$0x8];
	[sflag:s12] =	ssyncadd.s32 $0xFFFF0000  }
0x7f: {  	[tilespmem:s17], [sflag:$0x2] =	stream.linear.gather [hbm4b:s31+s17], $0x200, $0x38;
	[tilespmem:$0x10200] =	vst v63  }
0x80: {  	_ =	swait.ge [sflag:s12], $0x200  }
0x81: {  	[sflag:s12] =	ssyncset.done $0x0  }
0x82: {  	[sflag:s12] =	ssyncadd.s32 $0xFFFFFE00  }
0x83: {  	v0 =	vld [tilespmem:s17+$0x0];
	_ =	sdelay $0x4  }
0x84: {  	v0 =	vshll.u32 v0, $0x4  }
0x85: {  	(v2sf) =	vpush v0, $0x0  }
0x86: {  	(v2sf) =	vpush v0, $0x1  }
0x87: {  	(v2sf) =	vpush v0, $0x2;
	_ =	sdelay $0x1  }
0x88: {  	(v2sf) =	vpush v0, $0x4;
	_ =	sdelay $0x1  }
0x89: {  	(v2sf) =	vpush v0, $0x3  }
0x8a: {  	(v2sf) =	vpush v0, $0x5  }
0x8b: {  	s16 =	simm.s32 $0x0;
	s18 =	simm.s32 $0x2000;
	(v2sf) =	vpush v0, $0x6  }
.LBB2_4:
0x8c: {  	p0 =	sne.s32 s18, $0x3E000  }
0x8d: {  	s0 =	sadd.s32 $0x280, s16;
	s22 =	sadd.s32 $0x780, s16;
	s19 =	smov.u32 s18  }
0x8e: {  	s18 =	sadd.s32 $0x2000, s18;
	s25 =	sadd.s32 $0x580, s16;
	s20 =	sadd.s32 $0x800, s16;
	(v2sf) =	vpush v0, $0x7  }
0x8f: {  	s28 =	sadd.s32 $0x480, s16;
	s24 =	sadd.s32 $0x600, s16;
	s21 =	sadd.s32 $0x880, s16  }
0x90: {  	s1 =	sadd.s32 $0x200, s16;
	s5 =	sadd.s32 $0x400, s16;
	(v2sf) =	vpush v0, $0x8  }
0x91: {  	s6 =	sadd.s32 $0x500, s16;
	s17 =	sadd.s32 $0x10, s17  }
0x92: {  	s7 =	sadd.s32 $0x300, s16;
	s23 =	sadd.s32 $0x700, s16;
	s26 =	spop (v2sf);
	(v2sf) =	vpush v0, $0x9  }
0x93: {  	s29 =	sand.u32 $0x1FFFFFF0, s26;
	s26 =	sadd.s32 $0x680, s16;
	s30 =	spop (v2sf)  }
0x94: {  	s29 =	sadd.s32 s4, s29;
	s30 =	sand.u32 $0x1FFFFFF0, s30;
	s31 =	spop (v2sf);
	(v2sf) =	vpush v0, $0xA  }
0x95: {  	[tilespmem:s1], [sflag:$0x1] =	stream.linear.gather [hbm4b:s29+s3], $0x80, $0x38;
	[tilespmem:$0x10200] =	vst v63  }
0x96: {  	s1 =	sadd.s32 s4, s30;
	s29 =	sadd.s32 $0x380, s16;
	s30 =	spop (v2sf);
	(v2sf) =	vpush v0, $0xB  }
0x97: {  	[tilespmem:s0], [sflag:$0x1] =	stream.linear.gather [hbm4b:s1+s3], $0x80, $0x38;
	[tilespmem:$0x10200] =	vst v63  }
0x98: {  	s0 =	sand.u32 $0x1FFFFFF0, s31;
	s1 =	sand.u32 $0x1FFFFFF0, s30;
	s30 =	spop (v2sf);
	(v2sf) =	vpush v0, $0xC  }
0x99: {  	s0 =	sadd.s32 s4, s0;
	s30 =	sand.u32 $0x1FFFFFF0, s30;
	s31 =	spop (v2sf)  }
0x9a: {  	[tilespmem:s7], [sflag:$0x1] =	stream.linear.gather [hbm4b:s0+s3], $0x80, $0x38;
	(v2sf) =	vpush v0, $0xD;
	[tilespmem:$0x10200] =	vst v63  }
0x9b: {  	s0 =	sadd.s32 s4, s30;
	s7 =	sand.u32 $0x1FFFFFF0, s31;
	s30 =	spop (v2sf)  }
0x9c: {  	[tilespmem:s29], [sflag:$0x1] =	stream.linear.gather [hbm4b:s0+s3], $0x80, $0x38;
	(v2sf) =	vpush v0, $0xE;
	[tilespmem:$0x10200] =	vst v63  }
0x9d: {  	s0 =	sadd.s32 s4, s1;
	s1 =	sand.u32 $0x1FFFFFF0, s30;
	s29 =	spop (v2sf)  }
0x9e: {  	[tilespmem:s5], [sflag:$0x1] =	stream.linear.gather [hbm4b:s0+s3], $0x80, $0x38;
	(v2sf) =	vpush v0, $0xF;
	[tilespmem:$0x10200] =	vst v63  }
0x9f: {  	s0 =	sadd.s32 s4, s7;
	s5 =	sand.u32 $0x1FFFFFF0, s29;
	s7 =	spop (v2sf)  }
0xa0: {  	[tilespmem:s28], [sflag:$0x1] =	stream.linear.gather [hbm4b:s0+s3], $0x80, $0x38;
	[tilespmem:$0x10200] =	vst v63  }
0xa1: {  	s0 =	sadd.s32 s4, s1;
	s1 =	sand.u32 $0x1FFFFFF0, s7;
	s7 =	spop (v2sf)  }
0xa2: {  	[tilespmem:s6], [sflag:$0x1] =	stream.linear.gather [hbm4b:s0+s3], $0x80, $0x38;
	[tilespmem:$0x10200] =	vst v63  }
0xa3: {  	s0 =	sadd.s32 s4, s5;
	s5 =	sand.u32 $0x1FFFFFF0, s7;
	s6 =	spop (v2sf)  }
0xa4: {  	[tilespmem:s25], [sflag:$0x1] =	stream.linear.gather [hbm4b:s0+s3], $0x80, $0x38;
	[tilespmem:$0x10200] =	vst v63  }
0xa5: {  	s0 =	sadd.s32 s4, s1;
	s1 =	sand.u32 $0x1FFFFFF0, s6;
	s6 =	spop (v2sf)  }
0xa6: {  	[tilespmem:s24], [sflag:$0x1] =	stream.linear.gather [hbm4b:s0+s3], $0x80, $0x38;
	[tilespmem:$0x10200] =	vst v63  }
0xa7: {  	s0 =	sadd.s32 s4, s5;
	s5 =	sand.u32 $0x1FFFFFF0, s6;
	s6 =	spop (v2sf)  }
0xa8: {  	[tilespmem:s26], [sflag:$0x1] =	stream.linear.gather [hbm4b:s0+s3], $0x80, $0x38;
	[tilespmem:$0x10200] =	vst v63  }
0xa9: {  	s0 =	sadd.s32 s4, s1;
	s1 =	sand.u32 $0x1FFFFFF0, s6;
	s6 =	spop (v2sf)  }
0xaa: {  	[tilespmem:s23], [sflag:$0x1] =	stream.linear.gather [hbm4b:s0+s3], $0x80, $0x38;
	[tilespmem:$0x10200] =	vst v63  }
0xab: {  	s0 =	sadd.s32 s4, s5;
	s5 =	sand.u32 $0x1FFFFFF0, s6;
	s6 =	spop (v2sf)  }
0xac: {  	[tilespmem:s22], [sflag:$0x1] =	stream.linear.gather [hbm4b:s0+s3], $0x80, $0x38;
	[tilespmem:$0x10200] =	vst v63  }
0xad: {  	s0 =	sadd.s32 s4, s1;
	s1 =	sand.u32 $0x1FFFFFF0, s6;
	s6 =	spop (v2sf)  }
0xae: {  	[tilespmem:s20], [sflag:$0x1] =	stream.linear.gather [hbm4b:s0+s3], $0x80, $0x38;
	[tilespmem:$0x10200] =	vst v63  }
0xaf: {  	s0 =	sadd.s32 s4, s5;
	s5 =	sand.u32 $0x1FFFFFF0, s6  }
0xb0: {  	[tilespmem:s21], [sflag:$0x1] =	stream.linear.gather [hbm4b:s0+s3], $0x80, $0x38;
	[tilespmem:$0x10200] =	vst v63  }
0xb1: {  	s1 =	sadd.s32 s4, s1;
	s0 =	sadd.s32 $0x900, s16  }
0xb2: {  	[tilespmem:s0], [sflag:$0x1] =	stream.linear.gather [hbm4b:s1+s3], $0x80, $0x38;
	[tilespmem:$0x10200] =	vst v63  }
0xb3: {  	s0 =	sadd.s32 $0x980, s16;
	s1 =	sadd.s32 s4, s5  }
0xb4: {  	[tilespmem:s0], [sflag:$0x1] =	stream.linear.gather [hbm4b:s1+s3], $0x80, $0x38;
	[tilespmem:$0x10200] =	vst v63  }
0xb5: {  	v0 =	vld [tilespmem:s17+$0x0];
	_ =	sdelay $0x4  }
0xb6: {  	v0 =	vshll.u32 v0, $0x4  }
0xb7: {  	(v2sf) =	vpush v0, $0x0  }
0xb8: {  	(v2sf) =	vpush v0, $0x1  }
0xb9: {  	(v2sf) =	vpush v0, $0x2;
	_ =	sdelay $0x1  }
0xba: {  	(v2sf) =	vpush v0, $0x4  }
.Ltmp1:
0xbb: {  	(pc) =	sbr.rel @p0 .LBB2_4-.Ltmp1, $3  }
0xbc: {  	(v2sf) =	vpush v0, $0x3  }
0xbd: {  	(v2sf) =	vpush v0, $0x5;
	_ =	sdelay $0x1  }
0xbe: {  	s16 =	sshra.s32 s19, $0x2;
	(v2sf) =	vpush v0, $0x6  }
0xbf: {  	_ =	sdelay $0x1  }
0xc0: {  	s0 =	sadd.s32 $0x280, s16;
	s19 =	sadd.s32 $0x780, s16  }
0xc1: {  	s1 =	sadd.s32 $0x580, s16;
	s17 =	sadd.s32 $0x800, s16;
	(v2sf) =	vpush v0, $0x7;
	s5 =	sadd.s32 $0x480, s16  }
0xc2: {  	s6 =	sadd.s32 $0x600, s16;
	s18 =	sadd.s32 $0x880, s16;
	s7 =	sadd.s32 $0x200, s16  }
0xc3: {  	s20 =	sadd.s32 $0x400, s16;
	s21 =	sadd.s32 $0x500, s16;
	(v2sf) =	vpush v0, $0x8;
	s22 =	spop (v2sf)  }
0xc4: {  	s23 =	sadd.s32 $0x300, s16;
	s22 =	sand.u32 $0x1FFFFFF0, s22;
	s24 =	spop (v2sf)  }
0xc5: {  	(v2sf) =	vpush v0, $0x9;
	s22 =	sadd.s32 s4, s22;
	s24 =	sand.u32 $0x1FFFFFF0, s24;
	s25 =	spop (v2sf)  }
0xc6: {  	[tilespmem:s7], [sflag:$0x1] =	stream.linear.gather [hbm4b:s22+s3], $0x80, $0x38;
	[tilespmem:$0x10200] =	vst v63  }
0xc7: {  	(v2sf) =	vpush v0, $0xA;
	s26 =	sadd.s32 s4, s24;
	s29 =	sand.u32 $0x1FFFFFF0, s25;
	s28 =	spop (v2sf)  }
0xc8: {  	[tilespmem:s0], [sflag:$0x1] =	stream.linear.gather [hbm4b:s26+s3], $0x80, $0x38;
	[tilespmem:$0x10200] =	vst v63  }
0xc9: {  	s7 =	sadd.s32 $0x700, s16;
	(v2sf) =	vpush v0, $0xB;
	s22 =	sadd.s32 s4, s29;
	s30 =	spop (v2sf)  }
0xca: {  	s0 =	sadd.s32 $0x680, s16;
	s26 =	sadd.s32 $0x380, s16;
	s25 =	sand.u32 $0x1FFFFFF0, s30  }
0xcb: {  	(v2sf) =	vpush v0, $0xC;
	[tilespmem:s23], [sflag:$0x1] =	stream.linear.gather [hbm4b:s22+s3], $0x80, $0x38;
	[tilespmem:$0x10200] =	vst v63  }
0xcc: {  	s31 =	sand.u32 $0x1FFFFFF0, s28;
	s28 =	spop (v2sf);
	s29 =	sadd.s32 s4, s25  }
0xcd: {  	(v2sf) =	vpush v0, $0xD;
	[tilespmem:s26], [sflag:$0x1] =	stream.linear.gather [hbm4b:s29+s3], $0x80, $0x38;
	[tilespmem:$0x10200] =	vst v63  }
0xce: {  	s22 =	sadd.s32 s4, s31;
	s23 =	sand.u32 $0x1FFFFFF0, s28;
	s30 =	spop (v2sf)  }
0xcf: {  	(v2sf) =	vpush v0, $0xE;
	[tilespmem:s20], [sflag:$0x1] =	stream.linear.gather [hbm4b:s22+s3], $0x80, $0x38;
	[tilespmem:$0x10200] =	vst v63  }
0xd0: {  	s23 =	sadd.s32 s4, s23;
	s31 =	sand.u32 $0x1FFFFFF0, s30;
	s24 =	spop (v2sf)  }
0xd1: {  	(v2sf) =	vpush v0, $0xF;
	[tilespmem:s5], [sflag:$0x1] =	stream.linear.gather [hbm4b:s23+s3], $0x80, $0x38;
	[tilespmem:$0x10200] =	vst v63  }
0xd2: {  	s25 =	sand.u32 $0x1FFFFFF0, s24;
	s26 =	spop (v2sf);
	s20 =	sadd.s32 s4, s31  }
0xd3: {  	[tilespmem:s21], [sflag:$0x1] =	stream.linear.gather [hbm4b:s20+s3], $0x80, $0x38;
	[tilespmem:$0x10200] =	vst v63  }
0xd4: {  	s28 =	sand.u32 $0x1FFFFFF0, s26;
	s5 =	sadd.s32 s4, s25;
	s29 =	spop (v2sf)  }
0xd5: {  	[tilespmem:s1], [sflag:$0x1] =	stream.linear.gather [hbm4b:s5+s3], $0x80, $0x38;
	[tilespmem:$0x10200] =	vst v63  }
0xd6: {  	s20 =	sadd.s32 s4, s28;
	s30 =	sand.u32 $0x1FFFFFF0, s29;
	s31 =	spop (v2sf)  }
0xd7: {  	[tilespmem:s6], [sflag:$0x1] =	stream.linear.gather [hbm4b:s20+s3], $0x80, $0x38;
	[tilespmem:$0x10200] =	vst v63  }
0xd8: {  	s5 =	sand.u32 $0x1FFFFFF0, s31;
	s1 =	sadd.s32 s4, s30;
	s20 =	spop (v2sf)  }
0xd9: {  	[tilespmem:s0], [sflag:$0x1] =	stream.linear.gather [hbm4b:s1+s3], $0x80, $0x38;
	[tilespmem:$0x10200] =	vst v63  }
0xda: {  	s5 =	sadd.s32 s4, s5;
	s21 =	sand.u32 $0x1FFFFFF0, s20;
	s22 =	spop (v2sf)  }
0xdb: {  	[tilespmem:s7], [sflag:$0x1] =	stream.linear.gather [hbm4b:s5+s3], $0x80, $0x38;
	[tilespmem:$0x10200] =	vst v63  }
0xdc: {  	s0 =	sadd.s32 s4, s21;
	s1 =	sand.u32 $0x1FFFFFF0, s22;
	s23 =	spop (v2sf)  }
0xdd: {  	[tilespmem:s19], [sflag:$0x1] =	stream.linear.gather [hbm4b:s0+s3], $0x80, $0x38;
	[tilespmem:$0x10200] =	vst v63  }
0xde: {  	s24 =	sand.u32 $0x1FFFFFF0, s23;
	s1 =	sadd.s32 s4, s1;
	s25 =	spop (v2sf)  }
0xdf: {  	[tilespmem:s17], [sflag:$0x1] =	stream.linear.gather [hbm4b:s1+s3], $0x80, $0x38;
	[tilespmem:$0x10200] =	vst v63  }
0xe0: {  	s26 =	sand.u32 $0x1FFFFFF0, s25;
	s28 =	spop (v2sf);
	s0 =	sadd.s32 s4, s24  }
0xe1: {  	[tilespmem:s18], [sflag:$0x1] =	stream.linear.gather [hbm4b:s0+s3], $0x80, $0x38;
	[tilespmem:$0x10200] =	vst v63  }
0xe2: {  	s30 =	sadd.s32 $0x900, s16;
	s29 =	sand.u32 $0x1FFFFFF0, s28;
	s1 =	sadd.s32 s4, s26  }
0xe3: {  	[tilespmem:s30], [sflag:$0x1] =	stream.linear.gather [hbm4b:s1+s3], $0x80, $0x38;
	[tilespmem:$0x10200] =	vst v63  }
0xe4: {  	s31 =	sadd.s32 $0x980, s16;
	s0 =	sadd.s32 s4, s29  }
0xe5: {  	[tilespmem:s31], [sflag:$0x1] =	stream.linear.gather [hbm4b:s0+s3], $0x80, $0x38;
	[tilespmem:$0x10200] =	vst v63  }
0xe6: {  	_ =	swait.ge [sflag:s13], $0x10000  }
0xe7: {  	[sflag:s13] =	ssyncset.done $0x0  }
0xe8: {  	s17 =	simm.s32 $0x0;
	[sflag:s13] =	ssyncadd.s32 $0xFFFF0000  }
0xe9: {  	[hbm4b:s8+s17] =	stream.linear.scatter [tilespmem:s14], [sflag:$0x2], $0x10000, $0x38;
	[tilespmem:$0x10200] =	vst v63  }
0xea: {  	_ =	swait.ge [sflag:s12], $0x10000  }
0xeb: {  	[sflag:s12] =	ssyncset.done $0x0  }
0xec: {  	[sflag:s12] =	ssyncadd.s32 $0xFFFF0000  }
0xed: {  	[tilespmem:s17], [sflag:$0x2] =	stream.linear.gather [hbm4b:s9+s17], $0x200, $0x38;
	[tilespmem:$0x10200] =	vst v63  }
0xee: {  	_ =	swait.ge [sflag:s12], $0x200  }
0xef: {  	[sflag:s12] =	ssyncset.done $0x0  }
0xf0: {  	[sflag:s12] =	ssyncadd.s32 $0xFFFFFE00  }
0xf1: {  	v0 =	vld [tilespmem:s17+$0x0];
	_ =	sdelay $0x4  }
0xf2: {  	v0 =	vshll.u32 v0, $0x4  }
0xf3: {  	(v2sf) =	vpush v0, $0x0  }
0xf4: {  	(v2sf) =	vpush v0, $0x1  }
0xf5: {  	(v2sf) =	vpush v0, $0x2;
	_ =	sdelay $0x1  }
0xf6: {  	(v2sf) =	vpush v0, $0x4;
	_ =	sdelay $0x1  }
0xf7: {  	(v2sf) =	vpush v0, $0x3  }
0xf8: {  	(v2sf) =	vpush v0, $0x5  }
0xf9: {  	s16 =	simm.s32 $0x0;
	s18 =	simm.s32 $0x2000;
	(v2sf) =	vpush v0, $0x6  }
.LBB2_6:
0xfa: {  	p0 =	sne.s32 s18, $0x3E000  }
0xfb: {  	s0 =	sadd.s32 $0x280, s16;
	s22 =	sadd.s32 $0x780, s16;
	s19 =	smov.u32 s18  }
0xfc: {  	s18 =	sadd.s32 $0x2000, s18;
	s25 =	sadd.s32 $0x580, s16;
	s20 =	sadd.s32 $0x800, s16;
	(v2sf) =	vpush v0, $0x7  }
0xfd: {  	s28 =	sadd.s32 $0x480, s16;
	s24 =	sadd.s32 $0x600, s16;
	s21 =	sadd.s32 $0x880, s16  }
0xfe: {  	s1 =	sadd.s32 $0x200, s16;
	s5 =	sadd.s32 $0x400, s16;
	(v2sf) =	vpush v0, $0x8  }
0xff: {  	s6 =	sadd.s32 $0x500, s16;
	s17 =	sadd.s32 $0x10, s17  }
0x100: {  	s7 =	sadd.s32 $0x300, s16;
	s23 =	sadd.s32 $0x700, s16;
	s26 =	spop (v2sf);
	(v2sf) =	vpush v0, $0x9  }
0x101: {  	s29 =	sand.u32 $0x1FFFFFF0, s26;
	s26 =	sadd.s32 $0x680, s16;
	s30 =	spop (v2sf)  }
0x102: {  	s29 =	sadd.s32 s2, s29;
	s30 =	sand.u32 $0x1FFFFFF0, s30;
	s31 =	spop (v2sf);
	(v2sf) =	vpush v0, $0xA  }
0x103: {  	[tilespmem:s1], [sflag:$0x1] =	stream.linear.gather [hbm4b:s29+s3], $0x80, $0x38;
	[tilespmem:$0x10200] =	vst v63  }
0x104: {  	s1 =	sadd.s32 s2, s30;
	s29 =	sadd.s32 $0x380, s16;
	s30 =	spop (v2sf);
	(v2sf) =	vpush v0, $0xB  }
0x105: {  	[tilespmem:s0], [sflag:$0x1] =	stream.linear.gather [hbm4b:s1+s3], $0x80, $0x38;
	[tilespmem:$0x10200] =	vst v63  }
0x106: {  	s0 =	sand.u32 $0x1FFFFFF0, s31;
	s1 =	sand.u32 $0x1FFFFFF0, s30;
	s30 =	spop (v2sf);
	(v2sf) =	vpush v0, $0xC  }
0x107: {  	s0 =	sadd.s32 s2, s0;
	s30 =	sand.u32 $0x1FFFFFF0, s30;
	s31 =	spop (v2sf)  }
0x108: {  	[tilespmem:s7], [sflag:$0x1] =	stream.linear.gather [hbm4b:s0+s3], $0x80, $0x38;
	(v2sf) =	vpush v0, $0xD;
	[tilespmem:$0x10200] =	vst v63  }
0x109: {  	s0 =	sadd.s32 s2, s30;
	s7 =	sand.u32 $0x1FFFFFF0, s31;
	s30 =	spop (v2sf)  }
0x10a: {  	[tilespmem:s29], [sflag:$0x1] =	stream.linear.gather [hbm4b:s0+s3], $0x80, $0x38;
	(v2sf) =	vpush v0, $0xE;
	[tilespmem:$0x10200] =	vst v63  }
0x10b: {  	s0 =	sadd.s32 s2, s1;
	s1 =	sand.u32 $0x1FFFFFF0, s30;
	s29 =	spop (v2sf)  }
0x10c: {  	[tilespmem:s5], [sflag:$0x1] =	stream.linear.gather [hbm4b:s0+s3], $0x80, $0x38;
	(v2sf) =	vpush v0, $0xF;
	[tilespmem:$0x10200] =	vst v63  }
0x10d: {  	s0 =	sadd.s32 s2, s7;
	s5 =	sand.u32 $0x1FFFFFF0, s29;
	s7 =	spop (v2sf)  }
0x10e: {  	[tilespmem:s28], [sflag:$0x1] =	stream.linear.gather [hbm4b:s0+s3], $0x80, $0x38;
	[tilespmem:$0x10200] =	vst v63  }
0x10f: {  	s0 =	sadd.s32 s2, s1;
	s1 =	sand.u32 $0x1FFFFFF0, s7;
	s7 =	spop (v2sf)  }
0x110: {  	[tilespmem:s6], [sflag:$0x1] =	stream.linear.gather [hbm4b:s0+s3], $0x80, $0x38;
	[tilespmem:$0x10200] =	vst v63  }
0x111: {  	s0 =	sadd.s32 s2, s5;
	s5 =	sand.u32 $0x1FFFFFF0, s7;
	s6 =	spop (v2sf)  }
0x112: {  	[tilespmem:s25], [sflag:$0x1] =	stream.linear.gather [hbm4b:s0+s3], $0x80, $0x38;
	[tilespmem:$0x10200] =	vst v63  }
0x113: {  	s0 =	sadd.s32 s2, s1;
	s1 =	sand.u32 $0x1FFFFFF0, s6;
	s6 =	spop (v2sf)  }
0x114: {  	[tilespmem:s24], [sflag:$0x1] =	stream.linear.gather [hbm4b:s0+s3], $0x80, $0x38;
	[tilespmem:$0x10200] =	vst v63  }
0x115: {  	s0 =	sadd.s32 s2, s5;
	s5 =	sand.u32 $0x1FFFFFF0, s6;
	s6 =	spop (v2sf)  }
0x116: {  	[tilespmem:s26], [sflag:$0x1] =	stream.linear.gather [hbm4b:s0+s3], $0x80, $0x38;
	[tilespmem:$0x10200] =	vst v63  }
0x117: {  	s0 =	sadd.s32 s2, s1;
	s1 =	sand.u32 $0x1FFFFFF0, s6;
	s6 =	spop (v2sf)  }
0x118: {  	[tilespmem:s23], [sflag:$0x1] =	stream.linear.gather [hbm4b:s0+s3], $0x80, $0x38;
	[tilespmem:$0x10200] =	vst v63  }
0x119: {  	s0 =	sadd.s32 s2, s5;
	s5 =	sand.u32 $0x1FFFFFF0, s6;
	s6 =	spop (v2sf)  }
0x11a: {  	[tilespmem:s22], [sflag:$0x1] =	stream.linear.gather [hbm4b:s0+s3], $0x80, $0x38;
	[tilespmem:$0x10200] =	vst v63  }
0x11b: {  	s0 =	sadd.s32 s2, s1;
	s1 =	sand.u32 $0x1FFFFFF0, s6;
	s6 =	spop (v2sf)  }
0x11c: {  	[tilespmem:s20], [sflag:$0x1] =	stream.linear.gather [hbm4b:s0+s3], $0x80, $0x38;
	[tilespmem:$0x10200] =	vst v63  }
0x11d: {  	s0 =	sadd.s32 s2, s5;
	s5 =	sand.u32 $0x1FFFFFF0, s6  }
0x11e: {  	[tilespmem:s21], [sflag:$0x1] =	stream.linear.gather [hbm4b:s0+s3], $0x80, $0x38;
	[tilespmem:$0x10200] =	vst v63  }
0x11f: {  	s1 =	sadd.s32 s2, s1;
	s0 =	sadd.s32 $0x900, s16  }
0x120: {  	[tilespmem:s0], [sflag:$0x1] =	stream.linear.gather [hbm4b:s1+s3], $0x80, $0x38;
	[tilespmem:$0x10200] =	vst v63  }
0x121: {  	s0 =	sadd.s32 $0x980, s16;
	s1 =	sadd.s32 s2, s5  }
0x122: {  	[tilespmem:s0], [sflag:$0x1] =	stream.linear.gather [hbm4b:s1+s3], $0x80, $0x38;
	[tilespmem:$0x10200] =	vst v63  }
0x123: {  	v0 =	vld [tilespmem:s17+$0x0];
	_ =	sdelay $0x4  }
0x124: {  	v0 =	vshll.u32 v0, $0x4  }
0x125: {  	(v2sf) =	vpush v0, $0x0  }
0x126: {  	(v2sf) =	vpush v0, $0x1  }
0x127: {  	(v2sf) =	vpush v0, $0x2;
	_ =	sdelay $0x1  }
0x128: {  	(v2sf) =	vpush v0, $0x4  }
.Ltmp2:
0x129: {  	(pc) =	sbr.rel @p0 .LBB2_6-.Ltmp2, $3  }
0x12a: {  	(v2sf) =	vpush v0, $0x3  }
0x12b: {  	(v2sf) =	vpush v0, $0x5;
	_ =	sdelay $0x1  }
0x12c: {  	s16 =	sshra.s32 s19, $0x2;
	(v2sf) =	vpush v0, $0x6  }
0x12d: {  	_ =	sdelay $0x1  }
0x12e: {  	s0 =	sadd.s32 $0x280, s16;
	s19 =	sadd.s32 $0x780, s16  }
0x12f: {  	s1 =	sadd.s32 $0x580, s16;
	s17 =	sadd.s32 $0x800, s16;
	(v2sf) =	vpush v0, $0x7;
	s5 =	sadd.s32 $0x480, s16  }
0x130: {  	s6 =	sadd.s32 $0x600, s16;
	s18 =	sadd.s32 $0x880, s16;
	s7 =	sadd.s32 $0x200, s16  }
0x131: {  	s20 =	sadd.s32 $0x400, s16;
	s21 =	sadd.s32 $0x500, s16;
	(v2sf) =	vpush v0, $0x8;
	s22 =	spop (v2sf)  }
0x132: {  	s23 =	sadd.s32 $0x300, s16;
	s22 =	sand.u32 $0x1FFFFFF0, s22;
	s24 =	spop (v2sf)  }
0x133: {  	(v2sf) =	vpush v0, $0x9;
	s22 =	sadd.s32 s2, s22;
	s24 =	sand.u32 $0x1FFFFFF0, s24;
	s25 =	spop (v2sf)  }
0x134: {  	[tilespmem:s7], [sflag:$0x1] =	stream.linear.gather [hbm4b:s22+s3], $0x80, $0x38;
	[tilespmem:$0x10200] =	vst v63  }
0x135: {  	(v2sf) =	vpush v0, $0xA;
	s26 =	sadd.s32 s2, s24;
	s29 =	sand.u32 $0x1FFFFFF0, s25;
	s28 =	spop (v2sf)  }
0x136: {  	[tilespmem:s0], [sflag:$0x1] =	stream.linear.gather [hbm4b:s26+s3], $0x80, $0x38;
	[tilespmem:$0x10200] =	vst v63  }
0x137: {  	s7 =	sadd.s32 $0x700, s16;
	(v2sf) =	vpush v0, $0xB;
	s22 =	sadd.s32 s2, s29;
	s30 =	spop (v2sf)  }
0x138: {  	s0 =	sadd.s32 $0x680, s16;
	s26 =	sadd.s32 $0x380, s16;
	s25 =	sand.u32 $0x1FFFFFF0, s30  }
0x139: {  	(v2sf) =	vpush v0, $0xC;
	[tilespmem:s23], [sflag:$0x1] =	stream.linear.gather [hbm4b:s22+s3], $0x80, $0x38;
	[tilespmem:$0x10200] =	vst v63  }
0x13a: {  	s31 =	sand.u32 $0x1FFFFFF0, s28;
	s28 =	spop (v2sf);
	s29 =	sadd.s32 s2, s25  }
0x13b: {  	(v2sf) =	vpush v0, $0xD;
	[tilespmem:s26], [sflag:$0x1] =	stream.linear.gather [hbm4b:s29+s3], $0x80, $0x38;
	[tilespmem:$0x10200] =	vst v63  }
0x13c: {  	s22 =	sadd.s32 s2, s31;
	s23 =	sand.u32 $0x1FFFFFF0, s28;
	s30 =	spop (v2sf)  }
0x13d: {  	(v2sf) =	vpush v0, $0xE;
	[tilespmem:s20], [sflag:$0x1] =	stream.linear.gather [hbm4b:s22+s3], $0x80, $0x38;
	[tilespmem:$0x10200] =	vst v63  }
0x13e: {  	s23 =	sadd.s32 s2, s23;
	s31 =	sand.u32 $0x1FFFFFF0, s30;
	s24 =	spop (v2sf)  }
0x13f: {  	(v2sf) =	vpush v0, $0xF;
	[tilespmem:s5], [sflag:$0x1] =	stream.linear.gather [hbm4b:s23+s3], $0x80, $0x38;
	[tilespmem:$0x10200] =	vst v63  }
0x140: {  	s25 =	sand.u32 $0x1FFFFFF0, s24;
	s26 =	spop (v2sf);
	s20 =	sadd.s32 s2, s31  }
0x141: {  	[tilespmem:s21], [sflag:$0x1] =	stream.linear.gather [hbm4b:s20+s3], $0x80, $0x38;
	[tilespmem:$0x10200] =	vst v63  }
0x142: {  	s28 =	sand.u32 $0x1FFFFFF0, s26;
	s5 =	sadd.s32 s2, s25;
	s29 =	spop (v2sf)  }
0x143: {  	[tilespmem:s1], [sflag:$0x1] =	stream.linear.gather [hbm4b:s5+s3], $0x80, $0x38;
	[tilespmem:$0x10200] =	vst v63  }
0x144: {  	s20 =	sadd.s32 s2, s28;
	s30 =	sand.u32 $0x1FFFFFF0, s29;
	s31 =	spop (v2sf)  }
0x145: {  	[tilespmem:s6], [sflag:$0x1] =	stream.linear.gather [hbm4b:s20+s3], $0x80, $0x38;
	[tilespmem:$0x10200] =	vst v63  }
0x146: {  	s5 =	sand.u32 $0x1FFFFFF0, s31;
	s1 =	sadd.s32 s2, s30;
	s20 =	spop (v2sf)  }
0x147: {  	[tilespmem:s0], [sflag:$0x1] =	stream.linear.gather [hbm4b:s1+s3], $0x80, $0x38;
	[tilespmem:$0x10200] =	vst v63  }
0x148: {  	s5 =	sadd.s32 s2, s5;
	s21 =	sand.u32 $0x1FFFFFF0, s20;
	s22 =	spop (v2sf)  }
0x149: {  	[tilespmem:s7], [sflag:$0x1] =	stream.linear.gather [hbm4b:s5+s3], $0x80, $0x38;
	[tilespmem:$0x10200] =	vst v63  }
0x14a: {  	s0 =	sadd.s32 s2, s21;
	s1 =	sand.u32 $0x1FFFFFF0, s22;
	s23 =	spop (v2sf)  }
0x14b: {  	[tilespmem:s19], [sflag:$0x1] =	stream.linear.gather [hbm4b:s0+s3], $0x80, $0x38;
	[tilespmem:$0x10200] =	vst v63  }
0x14c: {  	s24 =	sand.u32 $0x1FFFFFF0, s23;
	s1 =	sadd.s32 s2, s1;
	s25 =	spop (v2sf)  }
0x14d: {  	[tilespmem:s17], [sflag:$0x1] =	stream.linear.gather [hbm4b:s1+s3], $0x80, $0x38;
	[tilespmem:$0x10200] =	vst v63  }
0x14e: {  	s26 =	sand.u32 $0x1FFFFFF0, s25;
	s28 =	spop (v2sf);
	s0 =	sadd.s32 s2, s24  }
0x14f: {  	[tilespmem:s18], [sflag:$0x1] =	stream.linear.gather [hbm4b:s0+s3], $0x80, $0x38;
	[tilespmem:$0x10200] =	vst v63  }
0x150: {  	s30 =	sadd.s32 $0x900, s16;
	s29 =	sand.u32 $0x1FFFFFF0, s28;
	s1 =	sadd.s32 s2, s26  }
0x151: {  	[tilespmem:s30], [sflag:$0x1] =	stream.linear.gather [hbm4b:s1+s3], $0x80, $0x38;
	[tilespmem:$0x10200] =	vst v63  }
0x152: {  	s31 =	sadd.s32 $0x980, s16;
	s0 =	sadd.s32 s2, s29  }
0x153: {  	[tilespmem:s31], [sflag:$0x1] =	stream.linear.gather [hbm4b:s0+s3], $0x80, $0x38;
	[tilespmem:$0x10200] =	vst v63  }
0x154: {  	s15 =	sadd.s32 $0x1, s15;
	_ =	swait.ge [sflag:s13], $0x10000  }
0x155: {  	p0 =	sne.s32 s15, s11;
	[sflag:s13] =	ssyncset.done $0x0  }
.Ltmp3:
0x156: {  	[sflag:s13] =	ssyncadd.s32 $0xFFFF0000;
	(pc) =	sbr.rel @p0 .LBB2_1-.Ltmp3, $4  }
0x157: {  	[hbm4b:s10+s3] =	stream.linear.scatter [tilespmem:s14], [sflag:$0x2], $0x10000, $0x38;
	[tilespmem:$0x10200] =	vst v63  }
0x158: {  	_ =	swait.ge [sflag:s12], $0x10000  }
0x159: {  	[sflag:s12] =	ssyncset.done $0x0  }
0x15a: {  	[sflag:s12] =	ssyncadd.s32 $0xFFFF0000  }
0x15b: {  	_ =	sfence.sel $0x180000  }
0x15c: {  	[bflag:$0x0] =	sbarrier.arrive $0xFFFF  }
0x15d: {  	_ =	strace $0x90000047  }
0x15e: {  	s0 =	stileid.u32;
	[bflag:$0x2] =	sbarrier.arrive $0xFFFF  }
0x15f: {  	p0 =	sne.s32 s0, $0x0;
	s0 =	rddreg [dreg:$0x5]  }
0x160: {  	s0 =	sadd.s32 @!p0 $0x100000, s0  }
0x161: {  	[sflag:s0] =	ssyncadd.tile.s32 @!p0 $0x1;
	_ =	shalt  }
.Lfunc_end2:
_tile_overlayer_lowered:
.L_overlay_start_2:
0x162: {  	(tag) =	ssettag $0x2  }
0x163: {  	s0 =	rddreg [dreg:$0x0];
	s2 =	stileid.u32  }
0x164: {  	s1 =	rddreg [dreg:$0x1];
	p0 =	sne.s32 s2, $0x0  }
0x165: {  	s3 =	rddreg [dreg:$0x2];
	[bflag:$0x3] =	sbarrier.arrive $0xFFFF;
	s2 =	simm.s32 @!p0 $0x1C02  }
0x166: {  	[timem:s3], [sflag:s2] =	dma.local @!p0 [hbm:s0], s1  }
0x167: {  	s0 =	simm.s32 @!p0 $0x2  }
0x168: {  	_ =	swait.ge @!p0 [sflag:s0], s1  }
0x169: {  	s1 =	ssub.s32 @!p0 $0x0, s1;
	[sflag:s0] =	ssyncset.done @!p0 $0x0  }
0x16a: {  	[sflag:s0] =	ssyncadd.s32 @!p0 s1  }
0x16b: {  	[bflag:$0x3] =	sbarrier.arrive $0xFFFF  }
0x16c: {  	_ =	shalt  }

</sc_bundles>
